<compile_context>
chip_gen: v7x
topology: tpu7x:2x2x1
jax: 0.10.2.dev20260603
libtpu: 0.0.44.dev20260713+nightly
codegen_flags: <defaults>
</compile_context>

<pallas_src>
import functools

import jax
import jax.numpy as jnp
from jax import lax
from jax.experimental import pallas as pl
from jax.experimental.pallas import tpu as pltpu
from jax.experimental.pallas import tpu_sc as plsc
from jax.experimental import layout as _layout

_B = 4
_L = 8192
_DH = 64
_MSL = 8192
_PI = 128
_CI = 8
_CT = _DH // _CI
_PT = _L // _PI
_SLAB = _MSL * _CI
_PANEL = _L * _CI
_QRT = _PANEL // 4
_NW = 32

_mesh = plsc.VectorSubcoreMesh(core_axis_name="c", subcore_axis_name="s")


@functools.partial(
    pl.kernel,
    mesh=_mesh,
    compiler_params=pltpu.CompilerParams(use_tc_tiling_on_sc=False,
                                         needs_layout_passes=False),
    out_type=(
        jax.ShapeDtypeStruct((_B, _CT, _PT, _CI, _PI), jnp.float32),
        jax.ShapeDtypeStruct((_B, _CT, _PT, _CI, _PI), jnp.float32),
    ),
    scratch_types=[
        pltpu.VMEM((_SLAB,), jnp.float32),
        pltpu.VMEM((2 * _PT, _PI), jnp.int32),
        pltpu.VMEM((2, 16, _CI, _PI), jnp.float32),
        pltpu.SemaphoreType.DMA((2,)),
    ],
)
def _rope_gather(pos_hbm, cos_hbm, sin_hbm, cos_out, sin_out,
                 slab_v, pos_v, obuf, sem):
    wid = lax.axis_index("s") * 2 + lax.axis_index("c")
    grp = wid // 2
    tbl = grp // _CT
    ct = grp % _CT
    half = wid % 2

    def run(tbl_hbm, out3):
        c_slab = pltpu.async_copy(tbl_hbm.at[ct], slab_v, sem.at[0])
        c_pos = pltpu.async_copy(
            pos_hbm.at[pl.ds(half * 2 * _PT, 2 * _PT)], pos_v, sem.at[1])
        c_pos.wait()
        c_slab.wait()

        def quarter(qi, carry):
            b2 = qi // 4
            qrt = qi % 4
            b = half * 2 + b2
            slot = qi % 2

            @pl.when(qi >= 2)
            def _():
                pltpu.make_async_copy(
                    obuf.at[slot],
                    out3.at[b, ct, pl.ds(qrt * 16, 16)],
                    sem.at[slot]).wait()

            @plsc.parallel_loop(0, 128, unroll=4)
            def _(j):
                pt_l = b2 * _PT + qrt * 16 + (j >> 3)
                idx = pos_v[pt_l, pl.ds((j & 7) * 16, 16)]
                base = ((idx >> 7) << 10) + (idx & 127)
                for ci in range(_CI):
                    v = plsc.load_gather(slab_v, [base + ci * _PI])
                    obuf[slot, j >> 3, ci, pl.ds((j & 7) * 16, 16)] = v

            pltpu.async_copy(
                obuf.at[slot],
                out3.at[b, ct, pl.ds(qrt * 16, 16)],
                sem.at[slot])
            return carry

        lax.fori_loop(0, 8, quarter, 0)
        for slot in range(2):
            pltpu.make_async_copy(
                obuf.at[slot],
                out3.at[0, 0, pl.ds(0, 16)],
                sem.at[slot]).wait()

    @pl.when(tbl == 0)
    def _():
        run(cos_hbm, cos_out)

    @pl.when(tbl == 1)
    def _():
        run(sin_hbm, sin_out)


def _to_slabs(table):
    t4 = table.reshape(_MSL // _PI, _PI, _CT, _CI)
    t4 = _layout.with_layout_constraint(
        t4, _layout.Layout((2, 0, 3, 1)))
    return lax.reshape(t4, (_CT, _SLAB), dimensions=(2, 0, 3, 1))


def _from_panels(o5):
    return lax.reshape(o5, (_B, _L, 1, _DH), dimensions=(0, 2, 4, 1, 3))


def kernel(positions, cos_cached, sin_cached):
    pos2 = positions.reshape(_B * _PT, _PI)
    cos_o, sin_o = _rope_gather(pos2, _to_slabs(cos_cached),
                                _to_slabs(sin_cached))
    return (_from_panels(cos_o), _from_panels(sin_o))

# --- scband reference (transcript-rebuilt; emitter-appended) ---
"""Pipeline reference for scband-ro-peembedding-41893111005335 (READ-ONLY COPY).

The authoritative reference and input builder live on the scoring server;
editing this copy changes nothing except your own understanding.
"""

import jax, jax.numpy as jnp
import numpy as np

DIM = 128
MAX_WAVELENGTH = 10000
MAX_SEQ_LEN = 8192
ATTENTION_SCALING = 1.0
B = 4
L = 8192


def _build_caches():
    d_half = DIM // 2
    freq_exponents = (2.0 / DIM) * jnp.arange(d_half, dtype=jnp.float32)
    inv_freq = 1.0 / (MAX_WAVELENGTH ** freq_exponents)
    positions_full = jnp.arange(MAX_SEQ_LEN, dtype=jnp.float32)
    freqs = jnp.outer(positions_full, inv_freq)
    cos_cached = jnp.cos(freqs)[:, None, :]  # [max_seq_len, 1, d_half]
    sin_cached = jnp.sin(freqs)[:, None, :]  # [max_seq_len, 1, d_half]
    return cos_cached, sin_cached


def setup_inputs(seed: int = 0) -> dict:
    key = jax.random.key(seed)
    cos_cached, sin_cached = _build_caches()
    positions = jax.random.randint(key, (B, L), 0, MAX_SEQ_LEN, dtype=jnp.int32)
    return {"positions": positions, "cos_cached": cos_cached, "sin_cached": sin_cached}


def reference(positions, cos_cached, sin_cached):
    # gather precomputed rope tables by position index -> [B, L, 1, D/2]
    cos = jnp.take(cos_cached, positions, axis=0) * ATTENTION_SCALING
    sin = jnp.take(sin_cached, positions, axis=0) * ATTENTION_SCALING
    return (cos, sin)

if __name__ == "__main__":
    import jax
    _d = setup_inputs()
    print(jax.jit(kernel)(*tuple(_d.values())))

</pallas_src>

<mosaic_0001>
#map = affine_map<(d0, d1) -> (0, 0)>
#map1 = affine_map<(d0, d1) -> (0, 0, 0, 0, 0)>
module attributes {stable_mosaic.version = 14 : i64} {
  func.func @_rope_gather(%arg0: i32, %arg1: i32, %arg2: memref<256x128xi32, #tpu.memory_space<hbm>>, %arg3: memref<8x65536xf32, #tpu.memory_space<hbm>>, %arg4: memref<8x65536xf32, #tpu.memory_space<hbm>>, %arg5: memref<4x8x64x8x128xf32, #tpu.memory_space<hbm>>, %arg6: memref<4x8x64x8x128xf32, #tpu.memory_space<hbm>>, %arg7: memref<65536xf32, #tpu.memory_space<vmem>>, %arg8: memref<128x128xi32, #tpu.memory_space<vmem>>, %arg9: memref<2x16x8x128xf32, #tpu.memory_space<vmem>>, %arg10: memref<2x!tpu.dma_semaphore, #tpu.memory_space<semaphore_mem>>) attributes {dimension_semantics = [#tpu.dimension_semantics<core_parallel>, #tpu.dimension_semantics<subcore_parallel>], iteration_bounds = array<i64: 2, 16>, scalar_prefetch = 0 : i64, scratch_operands = 4 : i64, tpu.core_type = #tpu.core_type<sc_vector_subcore>, window_params = [{transform_indices = #map}, {transform_indices = #map}, {transform_indices = #map}, {transform_indices = #map1}, {transform_indices = #map1}]} {
    %mul3A = arith.constant 2 : i32
    %mul3A_0 = arith.muli %arg1, %mul3A : i32
    %add3A = arith.addi %mul3A_0, %arg0 : i32
    %jit3A = arith.constant 2 : i32
    %div3A = arith.divsi %add3A, %jit3A : i32
    %sign3A = arith.constant 0 : i32
    %sign3A_1 = arith.cmpi sgt, %add3A, %sign3A : i32
    %sign3A_2 = arith.extui %sign3A_1 : i1 to i32
    %sign3A_3 = arith.constant 0 : i32
    %sign3A_4 = arith.cmpi slt, %add3A, %sign3A_3 : i32
    %sign3A_5 = arith.extui %sign3A_4 : i1 to i32
    %sign3A_6 = arith.subi %sign3A_2, %sign3A_5 : i32
    %sign3A_7 = arith.constant 0 : i32
    %sign3A_8 = arith.cmpi sgt, %jit3A, %sign3A_7 : i32
    %sign3A_9 = arith.extui %sign3A_8 : i1 to i32
    %sign3A_10 = arith.constant 0 : i32
    %sign3A_11 = arith.cmpi slt, %jit3A, %sign3A_10 : i32
    %sign3A_12 = arith.extui %sign3A_11 : i1 to i32
    %sign3A_13 = arith.subi %sign3A_9, %sign3A_12 : i32
    %ne3A = arith.cmpi ne, %sign3A_6, %sign3A_13 : i32
    %rem3A = arith.remsi %add3A, %jit3A : i32
    %ne3A_14 = arith.constant 0 : i32
    %ne3A_15 = arith.cmpi ne, %rem3A, %ne3A_14 : i32
    %and3A = arith.andi %ne3A, %ne3A_15 : i1
    %sub3A = arith.constant 1 : i32
    %sub3A_16 = arith.subi %div3A, %sub3A : i32
    %select_n3A = arith.select %and3A, %sub3A_16, %div3A : i32
    %jit3A_17 = arith.constant 8 : i32
    %div3A_18 = arith.divsi %select_n3A, %jit3A_17 : i32
    %sign3A_19 = arith.constant 0 : i32
    %sign3A_20 = arith.cmpi sgt, %select_n3A, %sign3A_19 : i32
    %sign3A_21 = arith.extui %sign3A_20 : i1 to i32
    %sign3A_22 = arith.constant 0 : i32
    %sign3A_23 = arith.cmpi slt, %select_n3A, %sign3A_22 : i32
    %sign3A_24 = arith.extui %sign3A_23 : i1 to i32
    %sign3A_25 = arith.subi %sign3A_21, %sign3A_24 : i32
    %sign3A_26 = arith.constant 0 : i32
    %sign3A_27 = arith.cmpi sgt, %jit3A_17, %sign3A_26 : i32
    %sign3A_28 = arith.extui %sign3A_27 : i1 to i32
    %sign3A_29 = arith.constant 0 : i32
    %sign3A_30 = arith.cmpi slt, %jit3A_17, %sign3A_29 : i32
    %sign3A_31 = arith.extui %sign3A_30 : i1 to i32
    %sign3A_32 = arith.subi %sign3A_28, %sign3A_31 : i32
    %ne3A_33 = arith.cmpi ne, %sign3A_25, %sign3A_32 : i32
    %rem3A_34 = arith.remsi %select_n3A, %jit3A_17 : i32
    %ne3A_35 = arith.constant 0 : i32
    %ne3A_36 = arith.cmpi ne, %rem3A_34, %ne3A_35 : i32
    %and3A_37 = arith.andi %ne3A_33, %ne3A_36 : i1
    %sub3A_38 = arith.constant 1 : i32
    %sub3A_39 = arith.subi %div3A_18, %sub3A_38 : i32
    %select_n3A_40 = arith.select %and3A_37, %sub3A_39, %div3A_18 : i32
    %jit3A_41 = arith.constant 8 : i32
    %eq3A = arith.constant 0 : i32
    %eq3A_42 = arith.cmpi eq, %jit3A_41, %eq3A : i32
    %jit3A_43 = arith.constant 1 : i32
    %select_n3A_44 = arith.select %eq3A_42, %jit3A_43, %jit3A_41 : i32
    %rem3A_45 = arith.remsi %select_n3A, %select_n3A_44 : i32
    %ne3A_46 = arith.constant 0 : i32
    %ne3A_47 = arith.cmpi ne, %rem3A_45, %ne3A_46 : i32
    %lt3A = arith.constant 0 : i32
    %lt3A_48 = arith.cmpi slt, %rem3A_45, %lt3A : i32
    %lt3A_49 = arith.constant 0 : i32
    %lt3A_50 = arith.cmpi slt, %select_n3A_44, %lt3A_49 : i32
    %ne3A_51 = arith.xori %lt3A_48, %lt3A_50 : i1
    %and3A_52 = arith.andi %ne3A_51, %ne3A_47 : i1
    %add3A_53 = arith.addi %rem3A_45, %select_n3A_44 : i32
    %select_n3A_54 = arith.select %and3A_52, %add3A_53, %rem3A_45 : i32
    %jit3A_55 = arith.constant 2 : i32
    %eq3A_56 = arith.constant 0 : i32
    %eq3A_57 = arith.cmpi eq, %jit3A_55, %eq3A_56 : i32
    %jit3A_58 = arith.constant 1 : i32
    %select_n3A_59 = arith.select %eq3A_57, %jit3A_58, %jit3A_55 : i32
    %rem3A_60 = arith.remsi %add3A, %select_n3A_59 : i32
    %ne3A_61 = arith.constant 0 : i32
    %ne3A_62 = arith.cmpi ne, %rem3A_60, %ne3A_61 : i32
    %lt3A_63 = arith.constant 0 : i32
    %lt3A_64 = arith.cmpi slt, %rem3A_60, %lt3A_63 : i32
    %lt3A_65 = arith.constant 0 : i32
    %lt3A_66 = arith.cmpi slt, %select_n3A_59, %lt3A_65 : i32
    %ne3A_67 = arith.xori %lt3A_64, %lt3A_66 : i1
    %and3A_68 = arith.andi %ne3A_67, %ne3A_62 : i1
    %add3A_69 = arith.addi %rem3A_60, %select_n3A_59 : i32
    %select_n3A_70 = arith.select %and3A_68, %add3A_69, %rem3A_60 : i32
    %eq3A_71 = arith.constant 0 : i32
    %eq3A_72 = arith.cmpi eq, %select_n3A_40, %eq3A_71 : i32
    %convert_element_type3A = arith.extui %eq3A_72 : i1 to i32
    %cond3A = arith.constant 0 : i32
    %cond3A_73 = arith.cmpi ne, %convert_element_type3A, %cond3A : i32
    scf.if %cond3A_73 {
      %dma_start3A = arith.constant 0 : i32
      %dma_start3A_79 = arith.constant 0 : i32
      %dma_start3A_80 = tpu.memref_slice %arg3[%select_n3A_54, %dma_start3A_79] : memref<8x65536xf32, #tpu.memory_space<hbm>> -> memref<1x65536xf32, #tpu.memory_space<hbm>>
      %dma_start3A_81 = tpu.memref_squeeze %dma_start3A_80 : memref<1x65536xf32, #tpu.memory_space<hbm>> -> memref<65536xf32, #tpu.memory_space<hbm>>
      %dma_start3A_82 = tpu.memref_slice %arg10[%dma_start3A] : memref<2x!tpu.dma_semaphore, #tpu.memory_space<semaphore_mem>> -> memref<1x!tpu.dma_semaphore, #tpu.memory_space<semaphore_mem>>
      %dma_start3A_83 = tpu.memref_squeeze %dma_start3A_82 : memref<1x!tpu.dma_semaphore, #tpu.memory_space<semaphore_mem>> -> memref<!tpu.dma_semaphore, #tpu.memory_space<semaphore_mem>>
      %dma_start3A_84 = arith.constant 0 : i32
      %dma_start3A_85 = tpu.memref_slice %arg3[%select_n3A_54, %dma_start3A_84] : memref<8x65536xf32, #tpu.memory_space<hbm>> -> memref<1x65536xf32, #tpu.memory_space<hbm>>
      %dma_start3A_86 = tpu.memref_squeeze %dma_start3A_85 : memref<1x65536xf32, #tpu.memory_space<hbm>> -> memref<65536xf32, #tpu.memory_space<hbm>>
      tpu.enqueue_dma source(%dma_start3A_86 : memref<65536xf32, #tpu.memory_space<hbm>>) target(%arg7 : memref<65536xf32, #tpu.memory_space<vmem>>) target_semaphore(%dma_start3A_83 : memref<!tpu.dma_semaphore, #tpu.memory_space<semaphore_mem>>)
      %mul3A_87 = arith.constant 2 : i32
      %mul3A_88 = arith.muli %select_n3A_70, %mul3A_87 : i32
      %mul3A_89 = arith.constant 64 : i32
      %mul3A_90 = arith.muli %mul3A_88, %mul3A_89 : i32
      %dma_start3A_91 = arith.constant 1 : i32
      %dma_start3A_92 = arith.constant 0 : i32
      %dma_start3A_93 = tpu.memref_slice %arg2[%mul3A_90, %dma_start3A_92] : memref<256x128xi32, #tpu.memory_space<hbm>> -> memref<128x128xi32, #tpu.memory_space<hbm>>
      %dma_start3A_94 = tpu.memref_slice %arg10[%dma_start3A_91] : memref<2x!tpu.dma_semaphore, #tpu.memory_space<semaphore_mem>> -> memref<1x!tpu.dma_semaphore, #tpu.memory_space<semaphore_mem>>
      %dma_start3A_95 = tpu.memref_squeeze %dma_start3A_94 : memref<1x!tpu.dma_semaphore, #tpu.memory_space<semaphore_mem>> -> memref<!tpu.dma_semaphore, #tpu.memory_space<semaphore_mem>>
      %dma_start3A_96 = arith.constant 0 : i32
      %dma_start3A_97 = tpu.memref_slice %arg2[%mul3A_90, %dma_start3A_96] : memref<256x128xi32, #tpu.memory_space<hbm>> -> memref<128x128xi32, #tpu.memory_space<hbm>>
      tpu.enqueue_dma source(%dma_start3A_97 : memref<128x128xi32, #tpu.memory_space<hbm>>) target(%arg8 : memref<128x128xi32, #tpu.memory_space<vmem>>) target_semaphore(%dma_start3A_95 : memref<!tpu.dma_semaphore, #tpu.memory_space<semaphore_mem>>)
      %dma_wait3A = arith.constant 1 : i32
      %dma_wait3A_98 = arith.constant 0 : i32
      %dma_wait3A_99 = tpu.memref_slice %arg2[%mul3A_90, %dma_wait3A_98] : memref<256x128xi32, #tpu.memory_space<hbm>> -> memref<128x128xi32, #tpu.memory_space<hbm>>
      %dma_wait3A_100 = tpu.memref_slice %arg10[%dma_wait3A] : memref<2x!tpu.dma_semaphore, #tpu.memory_space<semaphore_mem>> -> memref<1x!tpu.dma_semaphore, #tpu.memory_space<semaphore_mem>>
      %dma_wait3A_101 = tpu.memref_squeeze %dma_wait3A_100 : memref<1x!tpu.dma_semaphore, #tpu.memory_space<semaphore_mem>> -> memref<!tpu.dma_semaphore, #tpu.memory_space<semaphore_mem>>
      %dma_wait3A_102 = arith.constant 0 : i32
      %dma_wait3A_103 = tpu.memref_slice %arg2[%mul3A_90, %dma_wait3A_102] : memref<256x128xi32, #tpu.memory_space<hbm>> -> memref<128x128xi32, #tpu.memory_space<hbm>>
      tpu.wait_dma2 semaphore(%dma_wait3A_101 : memref<!tpu.dma_semaphore, #tpu.memory_space<semaphore_mem>>) src(%dma_wait3A_103 : memref<128x128xi32, #tpu.memory_space<hbm>>) dst(%arg8 : memref<128x128xi32, #tpu.memory_space<vmem>>)
      %dma_wait3A_104 = arith.constant 0 : i32
      %dma_wait3A_105 = arith.constant 0 : i32
      %dma_wait3A_106 = tpu.memref_slice %arg3[%select_n3A_54, %dma_wait3A_105] : memref<8x65536xf32, #tpu.memory_space<hbm>> -> memref<1x65536xf32, #tpu.memory_space<hbm>>
      %dma_wait3A_107 = tpu.memref_squeeze %dma_wait3A_106 : memref<1x65536xf32, #tpu.memory_space<hbm>> -> memref<65536xf32, #tpu.memory_space<hbm>>
      %dma_wait3A_108 = tpu.memref_slice %arg10[%dma_wait3A_104] : memref<2x!tpu.dma_semaphore, #tpu.memory_space<semaphore_mem>> -> memref<1x!tpu.dma_semaphore, #tpu.memory_space<semaphore_mem>>
      %dma_wait3A_109 = tpu.memref_squeeze %dma_wait3A_108 : memref<1x!tpu.dma_semaphore, #tpu.memory_space<semaphore_mem>> -> memref<!tpu.dma_semaphore, #tpu.memory_space<semaphore_mem>>
      %dma_wait3A_110 = arith.constant 0 : i32
      %dma_wait3A_111 = tpu.memref_slice %arg3[%select_n3A_54, %dma_wait3A_110] : memref<8x65536xf32, #tpu.memory_space<hbm>> -> memref<1x65536xf32, #tpu.memory_space<hbm>>
      %dma_wait3A_112 = tpu.memref_squeeze %dma_wait3A_111 : memref<1x65536xf32, #tpu.memory_space<hbm>> -> memref<65536xf32, #tpu.memory_space<hbm>>
      tpu.wait_dma2 semaphore(%dma_wait3A_109 : memref<!tpu.dma_semaphore, #tpu.memory_space<semaphore_mem>>) src(%dma_wait3A_112 : memref<65536xf32, #tpu.memory_space<hbm>>) dst(%arg7 : memref<65536xf32, #tpu.memory_space<vmem>>)
      %scan3A = arith.constant 0 : i32
      %scan3A_113 = arith.constant 0 : i32
      %scan3A_114 = arith.constant 8 : i32
      %scan3A_115 = arith.addi %scan3A_113, %scan3A_114 : i32
      %scan3A_116 = arith.constant 1 : i32
      scf.for %scan3A_170 = %scan3A_113 to %scan3A_115 step %scan3A_116  : i32 {
        %jit3A_171 = arith.constant 4 : i32
        %div3A_172 = arith.divsi %scan3A_170, %jit3A_171 : i32
        %sign3A_173 = arith.constant 0 : i32
        %sign3A_174 = arith.cmpi sgt, %scan3A_170, %sign3A_173 : i32
        %sign3A_175 = arith.extui %sign3A_174 : i1 to i32
        %sign3A_176 = arith.constant 0 : i32
        %sign3A_177 = arith.cmpi slt, %scan3A_170, %sign3A_176 : i32
        %sign3A_178 = arith.extui %sign3A_177 : i1 to i32
        %sign3A_179 = arith.subi %sign3A_175, %sign3A_178 : i32
        %sign3A_180 = arith.constant 0 : i32
        %sign3A_181 = arith.cmpi sgt, %jit3A_171, %sign3A_180 : i32
        %sign3A_182 = arith.extui %sign3A_181 : i1 to i32
        %sign3A_183 = arith.constant 0 : i32
        %sign3A_184 = arith.cmpi slt, %jit3A_171, %sign3A_183 : i32
        %sign3A_185 = arith.extui %sign3A_184 : i1 to i32
        %sign3A_186 = arith.subi %sign3A_182, %sign3A_185 : i32
        %ne3A_187 = arith.cmpi ne, %sign3A_179, %sign3A_186 : i32
        %rem3A_188 = arith.remsi %scan3A_170, %jit3A_171 : i32
        %ne3A_189 = arith.constant 0 : i32
        %ne3A_190 = arith.cmpi ne, %rem3A_188, %ne3A_189 : i32
        %and3A_191 = arith.andi %ne3A_187, %ne3A_190 : i1
        %sub3A_192 = arith.constant 1 : i32
        %sub3A_193 = arith.subi %div3A_172, %sub3A_192 : i32
        %select_n3A_194 = arith.select %and3A_191, %sub3A_193, %div3A_172 : i32
        %jit3A_195 = arith.constant 4 : i32
        %eq3A_196 = arith.constant 0 : i32
        %eq3A_197 = arith.cmpi eq, %jit3A_195, %eq3A_196 : i32
        %jit3A_198 = arith.constant 1 : i32
        %select_n3A_199 = arith.select %eq3A_197, %jit3A_198, %jit3A_195 : i32
        %rem3A_200 = arith.remsi %scan3A_170, %select_n3A_199 : i32
        %ne3A_201 = arith.constant 0 : i32
        %ne3A_202 = arith.cmpi ne, %rem3A_200, %ne3A_201 : i32
        %lt3A_203 = arith.constant 0 : i32
        %lt3A_204 = arith.cmpi slt, %rem3A_200, %lt3A_203 : i32
        %lt3A_205 = arith.constant 0 : i32
        %lt3A_206 = arith.cmpi slt, %select_n3A_199, %lt3A_205 : i32
        %ne3A_207 = arith.xori %lt3A_204, %lt3A_206 : i1
        %and3A_208 = arith.andi %ne3A_207, %ne3A_202 : i1
        %add3A_209 = arith.addi %rem3A_200, %select_n3A_199 : i32
        %select_n3A_210 = arith.select %and3A_208, %add3A_209, %rem3A_200 : i32
        %mul3A_211 = arith.constant 2 : i32
        %mul3A_212 = arith.muli %select_n3A_70, %mul3A_211 : i32
        %add3A_213 = arith.addi %mul3A_212, %select_n3A_194 : i32
        %jit3A_214 = arith.constant 2 : i32
        %eq3A_215 = arith.constant 0 : i32
        %eq3A_216 = arith.cmpi eq, %jit3A_214, %eq3A_215 : i32
        %jit3A_217 = arith.constant 1 : i32
        %select_n3A_218 = arith.select %eq3A_216, %jit3A_217, %jit3A_214 : i32
        %rem3A_219 = arith.remsi %scan3A_170, %select_n3A_218 : i32
        %ne3A_220 = arith.constant 0 : i32
        %ne3A_221 = arith.cmpi ne, %rem3A_219, %ne3A_220 : i32
        %lt3A_222 = arith.constant 0 : i32
        %lt3A_223 = arith.cmpi slt, %rem3A_219, %lt3A_222 : i32
        %lt3A_224 = arith.constant 0 : i32
        %lt3A_225 = arith.cmpi slt, %select_n3A_218, %lt3A_224 : i32
        %ne3A_226 = arith.xori %lt3A_223, %lt3A_225 : i1
        %and3A_227 = arith.andi %ne3A_226, %ne3A_221 : i1
        %add3A_228 = arith.addi %rem3A_219, %select_n3A_218 : i32
        %select_n3A_229 = arith.select %and3A_227, %add3A_228, %rem3A_219 : i32
        %ge3A = arith.constant 2 : i32
        %ge3A_230 = arith.cmpi sge, %scan3A_170, %ge3A : i32
        %convert_element_type3A_231 = arith.extui %ge3A_230 : i1 to i32
        %cond3A_232 = arith.constant 0 : i32
        %cond3A_233 = arith.cmpi ne, %convert_element_type3A_231, %cond3A_232 : i32
        scf.if %cond3A_233 {
          %mul3A_258 = arith.constant 16 : i32
          %mul3A_259 = arith.muli %select_n3A_210, %mul3A_258 : i32
          %dma_wait3A_260 = arith.constant 0 : i32
          %dma_wait3A_261 = arith.constant 0 : i32
          %dma_wait3A_262 = arith.constant 0 : i32
          %dma_wait3A_263 = tpu.memref_slice %arg9[%select_n3A_229, %dma_wait3A_260, %dma_wait3A_261, %dma_wait3A_262] : memref<2x16x8x128xf32, #tpu.memory_space<vmem>> -> memref<1x16x8x128xf32, #tpu.memory_space<vmem>>
          %dma_wait3A_264 = tpu.memref_squeeze %dma_wait3A_263 : memref<1x16x8x128xf32, #tpu.memory_space<vmem>> -> memref<16x8x128xf32, #tpu.memory_space<vmem>>
          %dma_wait3A_265 = arith.constant 0 : i32
          %dma_wait3A_266 = arith.constant 0 : i32
          %dma_wait3A_267 = tpu.memref_slice %arg5[%add3A_213, %select_n3A_54, %mul3A_259, %dma_wait3A_265, %dma_wait3A_266] : memref<4x8x64x8x128xf32, #tpu.memory_space<hbm>> -> memref<1x1x16x8x128xf32, #tpu.memory_space<hbm>>
          %dma_wait3A_268 = tpu.memref_squeeze %dma_wait3A_267 : memref<1x1x16x8x128xf32, #tpu.memory_space<hbm>> -> memref<16x8x128xf32, #tpu.memory_space<hbm>>
          %dma_wait3A_269 = tpu.memref_slice %arg10[%select_n3A_229] : memref<2x!tpu.dma_semaphore, #tpu.memory_space<semaphore_mem>> -> memref<1x!tpu.dma_semaphore, #tpu.memory_space<semaphore_mem>>
          %dma_wait3A_270 = tpu.memref_squeeze %dma_wait3A_269 : memref<1x!tpu.dma_semaphore, #tpu.memory_space<semaphore_mem>> -> memref<!tpu.dma_semaphore, #tpu.memory_space<semaphore_mem>>
          %dma_wait3A_271 = arith.constant 0 : i32
          %dma_wait3A_272 = arith.constant 0 : i32
          %dma_wait3A_273 = tpu.memref_slice %arg5[%add3A_213, %select_n3A_54, %mul3A_259, %dma_wait3A_271, %dma_wait3A_272] : memref<4x8x64x8x128xf32, #tpu.memory_space<hbm>> -> memref<1x1x16x8x128xf32, #tpu.memory_space<hbm>>
          %dma_wait3A_274 = tpu.memref_squeeze %dma_wait3A_273 : memref<1x1x16x8x128xf32, #tpu.memory_space<hbm>> -> memref<16x8x128xf32, #tpu.memory_space<hbm>>
          %dma_wait3A_275 = arith.constant 0 : i32
          %dma_wait3A_276 = arith.constant 0 : i32
          %dma_wait3A_277 = arith.constant 0 : i32
          %dma_wait3A_278 = tpu.memref_slice %arg9[%select_n3A_229, %dma_wait3A_275, %dma_wait3A_276, %dma_wait3A_277] : memref<2x16x8x128xf32, #tpu.memory_space<vmem>> -> memref<1x16x8x128xf32, #tpu.memory_space<vmem>>
          %dma_wait3A_279 = tpu.memref_squeeze %dma_wait3A_278 : memref<1x16x8x128xf32, #tpu.memory_space<vmem>> -> memref<16x8x128xf32, #tpu.memory_space<vmem>>
          tpu.wait_dma2 semaphore(%dma_wait3A_270 : memref<!tpu.dma_semaphore, #tpu.memory_space<semaphore_mem>>) src(%dma_wait3A_279 : memref<16x8x128xf32, #tpu.memory_space<vmem>>) dst(%dma_wait3A_274 : memref<16x8x128xf32, #tpu.memory_space<hbm>>)
        } else {
        }
        %parallel_loop3A = arith.constant 0 : i32
        %parallel_loop3A_234 = arith.constant 128 : i32
        %parallel_loop3A_235 = arith.constant 1 : i32
        scf.for %parallel_loop3A_258 = %parallel_loop3A to %parallel_loop3A_234 step %parallel_loop3A_235  : i32 {
          %parallel_loop3A_259 = arith.constant 64 : i32
          %parallel_loop3A_260 = arith.muli %select_n3A_194, %parallel_loop3A_259 : i32
          %parallel_loop3A_261 = arith.constant 16 : i32
          %parallel_loop3A_262 = arith.muli %select_n3A_210, %parallel_loop3A_261 : i32
          %parallel_loop3A_263 = arith.addi %parallel_loop3A_260, %parallel_loop3A_262 : i32
          %parallel_loop3A_264 = arith.constant 3 : i32
          %parallel_loop3A_265 = arith.shrsi %parallel_loop3A_258, %parallel_loop3A_264 : i32
          %parallel_loop3A_266 = arith.addi %parallel_loop3A_263, %parallel_loop3A_265 : i32
          %parallel_loop3A_267 = arith.constant 7 : i32
          %parallel_loop3A_268 = arith.andi %parallel_loop3A_258, %parallel_loop3A_267 : i32
          %parallel_loop3A_269 = arith.constant 16 : i32
          %parallel_loop3A_270 = arith.muli %parallel_loop3A_268, %parallel_loop3A_269 : i32
          %parallel_loop3A_271 = arith.index_cast %parallel_loop3A_266 : i32 to index
          %parallel_loop3A_272 = arith.index_cast %parallel_loop3A_270 : i32 to index
          %parallel_loop3A_273 = tpu.vector_load %arg8[%parallel_loop3A_271, %parallel_loop3A_272] {strides = array<i32>} : memref<128x128xi32, #tpu.memory_space<vmem>>, vector<16xi32>,
          %parallel_loop3A_274 = arith.constant 7 : i32
          %parallel_loop3A_275 = vector.broadcast %parallel_loop3A_274 : i32 to vector<16xi32>
          %parallel_loop3A_276 = arith.shrsi %parallel_loop3A_273, %parallel_loop3A_275 : vector<16xi32>
          %parallel_loop3A_277 = arith.constant 10 : i32
          %parallel_loop3A_278 = vector.broadcast %parallel_loop3A_277 : i32 to vector<16xi32>
          %parallel_loop3A_279 = arith.shli %parallel_loop3A_276, %parallel_loop3A_278 : vector<16xi32>
          %parallel_loop3A_280 = arith.constant 127 : i32
          %parallel_loop3A_281 = vector.broadcast %parallel_loop3A_280 : i32 to vector<16xi32>
          %parallel_loop3A_282 = arith.andi %parallel_loop3A_273, %parallel_loop3A_281 : vector<16xi32>
          %parallel_loop3A_283 = arith.addi %parallel_loop3A_279, %parallel_loop3A_282 : vector<16xi32>
          %parallel_loop3A_284 = arith.constant 0 : i32
          %parallel_loop3A_285 = vector.broadcast %parallel_loop3A_284 : i32 to vector<16xi32>
          %parallel_loop3A_286 = arith.addi %parallel_loop3A_283, %parallel_loop3A_285 : vector<16xi32>
          %parallel_loop3A_287 = tpu.vector_load_idx %arg7[%parallel_loop3A_286] : memref<65536xf32, #tpu.memory_space<vmem>>[vector<16xi32>], vector<16xf32>,
          %parallel_loop3A_288 = arith.constant 3 : i32
          %parallel_loop3A_289 = arith.shrsi %parallel_loop3A_258, %parallel_loop3A_288 : i32
          %parallel_loop3A_290 = arith.constant 7 : i32
          %parallel_loop3A_291 = arith.andi %parallel_loop3A_258, %parallel_loop3A_290 : i32
          %parallel_loop3A_292 = arith.constant 16 : i32
          %parallel_loop3A_293 = arith.muli %parallel_loop3A_291, %parallel_loop3A_292 : i32
          %parallel_loop3A_294 = arith.constant 0 : i32
          %parallel_loop3A_295 = arith.index_cast %select_n3A_229 : i32 to index
          %parallel_loop3A_296 = arith.index_cast %parallel_loop3A_289 : i32 to index
          %parallel_loop3A_297 = arith.index_cast %parallel_loop3A_294 : i32 to index
          %parallel_loop3A_298 = arith.index_cast %parallel_loop3A_293 : i32 to index
          %parallel_loop3A_299 = tpu.vector_load %arg9[%parallel_loop3A_295, %parallel_loop3A_296, %parallel_loop3A_297, %parallel_loop3A_298] {strides = array<i32>} : memref<2x16x8x128xf32, #tpu.memory_space<vmem>>, vector<16xf32>,
          tpu.vector_store %arg9[%parallel_loop3A_295, %parallel_loop3A_296, %parallel_loop3A_297, %parallel_loop3A_298], %parallel_loop3A_287 {strides = array<i32>} : memref<2x16x8x128xf32, #tpu.memory_space<vmem>>, vector<16xf32>,
          %parallel_loop3A_300 = arith.constant 128 : i32
          %parallel_loop3A_301 = vector.broadcast %parallel_loop3A_300 : i32 to vector<16xi32>
          %parallel_loop3A_302 = arith.addi %parallel_loop3A_283, %parallel_loop3A_301 : vector<16xi32>
          %parallel_loop3A_303 = tpu.vector_load_idx %arg7[%parallel_loop3A_302] : memref<65536xf32, #tpu.memory_space<vmem>>[vector<16xi32>], vector<16xf32>,
          %parallel_loop3A_304 = arith.constant 3 : i32
          %parallel_loop3A_305 = arith.shrsi %parallel_loop3A_258, %parallel_loop3A_304 : i32
          %parallel_loop3A_306 = arith.constant 7 : i32
          %parallel_loop3A_307 = arith.andi %parallel_loop3A_258, %parallel_loop3A_306 : i32
          %parallel_loop3A_308 = arith.constant 16 : i32
          %parallel_loop3A_309 = arith.muli %parallel_loop3A_307, %parallel_loop3A_308 : i32
          %parallel_loop3A_310 = arith.constant 1 : i32
          %parallel_loop3A_311 = arith.index_cast %select_n3A_229 : i32 to index
          %parallel_loop3A_312 = arith.index_cast %parallel_loop3A_305 : i32 to index
          %parallel_loop3A_313 = arith.index_cast %parallel_loop3A_310 : i32 to index
          %parallel_loop3A_314 = arith.index_cast %parallel_loop3A_309 : i32 to index
          %parallel_loop3A_315 = tpu.vector_load %arg9[%parallel_loop3A_311, %parallel_loop3A_312, %parallel_loop3A_313, %parallel_loop3A_314] {strides = array<i32>} : memref<2x16x8x128xf32, #tpu.memory_space<vmem>>, vector<16xf32>,
          tpu.vector_store %arg9[%parallel_loop3A_311, %parallel_loop3A_312, %parallel_loop3A_313, %parallel_loop3A_314], %parallel_loop3A_303 {strides = array<i32>} : memref<2x16x8x128xf32, #tpu.memory_space<vmem>>, vector<16xf32>,
          %parallel_loop3A_316 = arith.constant 256 : i32
          %parallel_loop3A_317 = vector.broadcast %parallel_loop3A_316 : i32 to vector<16xi32>
          %parallel_loop3A_318 = arith.addi %parallel_loop3A_283, %parallel_loop3A_317 : vector<16xi32>
          %parallel_loop3A_319 = tpu.vector_load_idx %arg7[%parallel_loop3A_318] : memref<65536xf32, #tpu.memory_space<vmem>>[vector<16xi32>], vector<16xf32>,
          %parallel_loop3A_320 = arith.constant 3 : i32
          %parallel_loop3A_321 = arith.shrsi %parallel_loop3A_258, %parallel_loop3A_320 : i32
          %parallel_loop3A_322 = arith.constant 7 : i32
          %parallel_loop3A_323 = arith.andi %parallel_loop3A_258, %parallel_loop3A_322 : i32
          %parallel_loop3A_324 = arith.constant 16 : i32
          %parallel_loop3A_325 = arith.muli %parallel_loop3A_323, %parallel_loop3A_324 : i32
          %parallel_loop3A_326 = arith.constant 2 : i32
          %parallel_loop3A_327 = arith.index_cast %select_n3A_229 : i32 to index
          %parallel_loop3A_328 = arith.index_cast %parallel_loop3A_321 : i32 to index
          %parallel_loop3A_329 = arith.index_cast %parallel_loop3A_326 : i32 to index
          %parallel_loop3A_330 = arith.index_cast %parallel_loop3A_325 : i32 to index
          %parallel_loop3A_331 = tpu.vector_load %arg9[%parallel_loop3A_327, %parallel_loop3A_328, %parallel_loop3A_329, %parallel_loop3A_330] {strides = array<i32>} : memref<2x16x8x128xf32, #tpu.memory_space<vmem>>, vector<16xf32>,
          tpu.vector_store %arg9[%parallel_loop3A_327, %parallel_loop3A_328, %parallel_loop3A_329, %parallel_loop3A_330], %parallel_loop3A_319 {strides = array<i32>} : memref<2x16x8x128xf32, #tpu.memory_space<vmem>>, vector<16xf32>,
          %parallel_loop3A_332 = arith.constant 384 : i32
          %parallel_loop3A_333 = vector.broadcast %parallel_loop3A_332 : i32 to vector<16xi32>
          %parallel_loop3A_334 = arith.addi %parallel_loop3A_283, %parallel_loop3A_333 : vector<16xi32>
          %parallel_loop3A_335 = tpu.vector_load_idx %arg7[%parallel_loop3A_334] : memref<65536xf32, #tpu.memory_space<vmem>>[vector<16xi32>], vector<16xf32>,
          %parallel_loop3A_336 = arith.constant 3 : i32
          %parallel_loop3A_337 = arith.shrsi %parallel_loop3A_258, %parallel_loop3A_336 : i32
          %parallel_loop3A_338 = arith.constant 7 : i32
          %parallel_loop3A_339 = arith.andi %parallel_loop3A_258, %parallel_loop3A_338 : i32
          %parallel_loop3A_340 = arith.constant 16 : i32
          %parallel_loop3A_341 = arith.muli %parallel_loop3A_339, %parallel_loop3A_340 : i32
          %parallel_loop3A_342 = arith.constant 3 : i32
          %parallel_loop3A_343 = arith.index_cast %select_n3A_229 : i32 to index
          %parallel_loop3A_344 = arith.index_cast %parallel_loop3A_337 : i32 to index
          %parallel_loop3A_345 = arith.index_cast %parallel_loop3A_342 : i32 to index
          %parallel_loop3A_346 = arith.index_cast %parallel_loop3A_341 : i32 to index
          %parallel_loop3A_347 = tpu.vector_load %arg9[%parallel_loop3A_343, %parallel_loop3A_344, %parallel_loop3A_345, %parallel_loop3A_346] {strides = array<i32>} : memref<2x16x8x128xf32, #tpu.memory_space<vmem>>, vector<16xf32>,
          tpu.vector_store %arg9[%parallel_loop3A_343, %parallel_loop3A_344, %parallel_loop3A_345, %parallel_loop3A_346], %parallel_loop3A_335 {strides = array<i32>} : memref<2x16x8x128xf32, #tpu.memory_space<vmem>>, vector<16xf32>,
          %parallel_loop3A_348 = arith.constant 512 : i32
          %parallel_loop3A_349 = vector.broadcast %parallel_loop3A_348 : i32 to vector<16xi32>
          %parallel_loop3A_350 = arith.addi %parallel_loop3A_283, %parallel_loop3A_349 : vector<16xi32>
          %parallel_loop3A_351 = tpu.vector_load_idx %arg7[%parallel_loop3A_350] : memref<65536xf32, #tpu.memory_space<vmem>>[vector<16xi32>], vector<16xf32>,
          %parallel_loop3A_352 = arith.constant 3 : i32
          %parallel_loop3A_353 = arith.shrsi %parallel_loop3A_258, %parallel_loop3A_352 : i32
          %parallel_loop3A_354 = arith.constant 7 : i32
          %parallel_loop3A_355 = arith.andi %parallel_loop3A_258, %parallel_loop3A_354 : i32
          %parallel_loop3A_356 = arith.constant 16 : i32
          %parallel_loop3A_357 = arith.muli %parallel_loop3A_355, %parallel_loop3A_356 : i32
          %parallel_loop3A_358 = arith.constant 4 : i32
          %parallel_loop3A_359 = arith.index_cast %select_n3A_229 : i32 to index
          %parallel_loop3A_360 = arith.index_cast %parallel_loop3A_353 : i32 to index
          %parallel_loop3A_361 = arith.index_cast %parallel_loop3A_358 : i32 to index
          %parallel_loop3A_362 = arith.index_cast %parallel_loop3A_357 : i32 to index
          %parallel_loop3A_363 = tpu.vector_load %arg9[%parallel_loop3A_359, %parallel_loop3A_360, %parallel_loop3A_361, %parallel_loop3A_362] {strides = array<i32>} : memref<2x16x8x128xf32, #tpu.memory_space<vmem>>, vector<16xf32>,
          tpu.vector_store %arg9[%parallel_loop3A_359, %parallel_loop3A_360, %parallel_loop3A_361, %parallel_loop3A_362], %parallel_loop3A_351 {strides = array<i32>} : memref<2x16x8x128xf32, #tpu.memory_space<vmem>>, vector<16xf32>,
          %parallel_loop3A_364 = arith.constant 640 : i32
          %parallel_loop3A_365 = vector.broadcast %parallel_loop3A_364 : i32 to vector<16xi32>
          %parallel_loop3A_366 = arith.addi %parallel_loop3A_283, %parallel_loop3A_365 : vector<16xi32>
          %parallel_loop3A_367 = tpu.vector_load_idx %arg7[%parallel_loop3A_366] : memref<65536xf32, #tpu.memory_space<vmem>>[vector<16xi32>], vector<16xf32>,
          %parallel_loop3A_368 = arith.constant 3 : i32
          %parallel_loop3A_369 = arith.shrsi %parallel_loop3A_258, %parallel_loop3A_368 : i32
          %parallel_loop3A_370 = arith.constant 7 : i32
          %parallel_loop3A_371 = arith.andi %parallel_loop3A_258, %parallel_loop3A_370 : i32
          %parallel_loop3A_372 = arith.constant 16 : i32
          %parallel_loop3A_373 = arith.muli %parallel_loop3A_371, %parallel_loop3A_372 : i32
          %parallel_loop3A_374 = arith.constant 5 : i32
          %parallel_loop3A_375 = arith.index_cast %select_n3A_229 : i32 to index
          %parallel_loop3A_376 = arith.index_cast %parallel_loop3A_369 : i32 to index
          %parallel_loop3A_377 = arith.index_cast %parallel_loop3A_374 : i32 to index
          %parallel_loop3A_378 = arith.index_cast %parallel_loop3A_373 : i32 to index
          %parallel_loop3A_379 = tpu.vector_load %arg9[%parallel_loop3A_375, %parallel_loop3A_376, %parallel_loop3A_377, %parallel_loop3A_378] {strides = array<i32>} : memref<2x16x8x128xf32, #tpu.memory_space<vmem>>, vector<16xf32>,
          tpu.vector_store %arg9[%parallel_loop3A_375, %parallel_loop3A_376, %parallel_loop3A_377, %parallel_loop3A_378], %parallel_loop3A_367 {strides = array<i32>} : memref<2x16x8x128xf32, #tpu.memory_space<vmem>>, vector<16xf32>,
          %parallel_loop3A_380 = arith.constant 768 : i32
          %parallel_loop3A_381 = vector.broadcast %parallel_loop3A_380 : i32 to vector<16xi32>
          %parallel_loop3A_382 = arith.addi %parallel_loop3A_283, %parallel_loop3A_381 : vector<16xi32>
          %parallel_loop3A_383 = tpu.vector_load_idx %arg7[%parallel_loop3A_382] : memref<65536xf32, #tpu.memory_space<vmem>>[vector<16xi32>], vector<16xf32>,
          %parallel_loop3A_384 = arith.constant 3 : i32
          %parallel_loop3A_385 = arith.shrsi %parallel_loop3A_258, %parallel_loop3A_384 : i32
          %parallel_loop3A_386 = arith.constant 7 : i32
          %parallel_loop3A_387 = arith.andi %parallel_loop3A_258, %parallel_loop3A_386 : i32
          %parallel_loop3A_388 = arith.constant 16 : i32
          %parallel_loop3A_389 = arith.muli %parallel_loop3A_387, %parallel_loop3A_388 : i32
          %parallel_loop3A_390 = arith.constant 6 : i32
          %parallel_loop3A_391 = arith.index_cast %select_n3A_229 : i32 to index
          %parallel_loop3A_392 = arith.index_cast %parallel_loop3A_385 : i32 to index
          %parallel_loop3A_393 = arith.index_cast %parallel_loop3A_390 : i32 to index
          %parallel_loop3A_394 = arith.index_cast %parallel_loop3A_389 : i32 to index
          %parallel_loop3A_395 = tpu.vector_load %arg9[%parallel_loop3A_391, %parallel_loop3A_392, %parallel_loop3A_393, %parallel_loop3A_394] {strides = array<i32>} : memref<2x16x8x128xf32, #tpu.memory_space<vmem>>, vector<16xf32>,
          tpu.vector_store %arg9[%parallel_loop3A_391, %parallel_loop3A_392, %parallel_loop3A_393, %parallel_loop3A_394], %parallel_loop3A_383 {strides = array<i32>} : memref<2x16x8x128xf32, #tpu.memory_space<vmem>>, vector<16xf32>,
          %parallel_loop3A_396 = arith.constant 896 : i32
          %parallel_loop3A_397 = vector.broadcast %parallel_loop3A_396 : i32 to vector<16xi32>
          %parallel_loop3A_398 = arith.addi %parallel_loop3A_283, %parallel_loop3A_397 : vector<16xi32>
          %parallel_loop3A_399 = tpu.vector_load_idx %arg7[%parallel_loop3A_398] : memref<65536xf32, #tpu.memory_space<vmem>>[vector<16xi32>], vector<16xf32>,
          %parallel_loop3A_400 = arith.constant 3 : i32
          %parallel_loop3A_401 = arith.shrsi %parallel_loop3A_258, %parallel_loop3A_400 : i32
          %parallel_loop3A_402 = arith.constant 7 : i32
          %parallel_loop3A_403 = arith.andi %parallel_loop3A_258, %parallel_loop3A_402 : i32
          %parallel_loop3A_404 = arith.constant 16 : i32
          %parallel_loop3A_405 = arith.muli %parallel_loop3A_403, %parallel_loop3A_404 : i32
          %parallel_loop3A_406 = arith.constant 7 : i32
          %parallel_loop3A_407 = arith.index_cast %select_n3A_229 : i32 to index
          %parallel_loop3A_408 = arith.index_cast %parallel_loop3A_401 : i32 to index
          %parallel_loop3A_409 = arith.index_cast %parallel_loop3A_406 : i32 to index
          %parallel_loop3A_410 = arith.index_cast %parallel_loop3A_405 : i32 to index
          %parallel_loop3A_411 = tpu.vector_load %arg9[%parallel_loop3A_407, %parallel_loop3A_408, %parallel_loop3A_409, %parallel_loop3A_410] {strides = array<i32>} : memref<2x16x8x128xf32, #tpu.memory_space<vmem>>, vector<16xf32>,
          tpu.vector_store %arg9[%parallel_loop3A_407, %parallel_loop3A_408, %parallel_loop3A_409, %parallel_loop3A_410], %parallel_loop3A_399 {strides = array<i32>} : memref<2x16x8x128xf32, #tpu.memory_space<vmem>>, vector<16xf32>,
        } {sc.loop_unroll_factor = 4 : i64, sc.parallel_access}
        %mul3A_236 = arith.constant 16 : i32
        %mul3A_237 = arith.muli %select_n3A_210, %mul3A_236 : i32
        %dma_start3A_238 = arith.constant 0 : i32
        %dma_start3A_239 = arith.constant 0 : i32
        %dma_start3A_240 = arith.constant 0 : i32
        %dma_start3A_241 = tpu.memref_slice %arg9[%select_n3A_229, %dma_start3A_238, %dma_start3A_239, %dma_start3A_240] : memref<2x16x8x128xf32, #tpu.memory_space<vmem>> -> memref<1x16x8x128xf32, #tpu.memory_space<vmem>>
        %dma_start3A_242 = tpu.memref_squeeze %dma_start3A_241 : memref<1x16x8x128xf32, #tpu.memory_space<vmem>> -> memref<16x8x128xf32, #tpu.memory_space<vmem>>
        %dma_start3A_243 = arith.constant 0 : i32
        %dma_start3A_244 = arith.constant 0 : i32
        %dma_start3A_245 = tpu.memref_slice %arg5[%add3A_213, %select_n3A_54, %mul3A_237, %dma_start3A_243, %dma_start3A_244] : memref<4x8x64x8x128xf32, #tpu.memory_space<hbm>> -> memref<1x1x16x8x128xf32, #tpu.memory_space<hbm>>
        %dma_start3A_246 = tpu.memref_squeeze %dma_start3A_245 : memref<1x1x16x8x128xf32, #tpu.memory_space<hbm>> -> memref<16x8x128xf32, #tpu.memory_space<hbm>>
        %dma_start3A_247 = tpu.memref_slice %arg10[%select_n3A_229] : memref<2x!tpu.dma_semaphore, #tpu.memory_space<semaphore_mem>> -> memref<1x!tpu.dma_semaphore, #tpu.memory_space<semaphore_mem>>
        %dma_start3A_248 = tpu.memref_squeeze %dma_start3A_247 : memref<1x!tpu.dma_semaphore, #tpu.memory_space<semaphore_mem>> -> memref<!tpu.dma_semaphore, #tpu.memory_space<semaphore_mem>>
        %dma_start3A_249 = arith.constant 0 : i32
        %dma_start3A_250 = arith.constant 0 : i32
        %dma_start3A_251 = tpu.memref_slice %arg5[%add3A_213, %select_n3A_54, %mul3A_237, %dma_start3A_249, %dma_start3A_250] : memref<4x8x64x8x128xf32, #tpu.memory_space<hbm>> -> memref<1x1x16x8x128xf32, #tpu.memory_space<hbm>>
        %dma_start3A_252 = tpu.memref_squeeze %dma_start3A_251 : memref<1x1x16x8x128xf32, #tpu.memory_space<hbm>> -> memref<16x8x128xf32, #tpu.memory_space<hbm>>
        %dma_start3A_253 = arith.constant 0 : i32
        %dma_start3A_254 = arith.constant 0 : i32
        %dma_start3A_255 = arith.constant 0 : i32
        %dma_start3A_256 = tpu.memref_slice %arg9[%select_n3A_229, %dma_start3A_253, %dma_start3A_254, %dma_start3A_255] : memref<2x16x8x128xf32, #tpu.memory_space<vmem>> -> memref<1x16x8x128xf32, #tpu.memory_space<vmem>>
        %dma_start3A_257 = tpu.memref_squeeze %dma_start3A_256 : memref<1x16x8x128xf32, #tpu.memory_space<vmem>> -> memref<16x8x128xf32, #tpu.memory_space<vmem>>
        tpu.enqueue_dma source(%dma_start3A_257 : memref<16x8x128xf32, #tpu.memory_space<vmem>>) target(%dma_start3A_252 : memref<16x8x128xf32, #tpu.memory_space<hbm>>) target_semaphore(%dma_start3A_248 : memref<!tpu.dma_semaphore, #tpu.memory_space<semaphore_mem>>)
      }
      %scan3A_117 = arith.constant 8 : i32
      %dma_wait3A_118 = arith.constant 0 : i32
      %dma_wait3A_119 = arith.constant 0 : i32
      %dma_wait3A_120 = arith.constant 0 : i32
      %dma_wait3A_121 = arith.constant 0 : i32
      %dma_wait3A_122 = arith.constant 0 : i32
      %dma_wait3A_123 = arith.constant 0 : i32
      %dma_wait3A_124 = arith.constant 0 : i32
      %dma_wait3A_125 = tpu.memref_slice %arg9[%dma_wait3A_118, %dma_wait3A_122, %dma_wait3A_123, %dma_wait3A_124] : memref<2x16x8x128xf32, #tpu.memory_space<vmem>> -> memref<1x16x8x128xf32, #tpu.memory_space<vmem>>
      %dma_wait3A_126 = tpu.memref_squeeze %dma_wait3A_125 : memref<1x16x8x128xf32, #tpu.memory_space<vmem>> -> memref<16x8x128xf32, #tpu.memory_space<vmem>>
      %dma_wait3A_127 = arith.constant 0 : i32
      %dma_wait3A_128 = arith.constant 0 : i32
      %dma_wait3A_129 = arith.constant 0 : i32
      %dma_wait3A_130 = tpu.memref_slice %arg5[%dma_wait3A_119, %dma_wait3A_120, %dma_wait3A_127, %dma_wait3A_128, %dma_wait3A_129] : memref<4x8x64x8x128xf32, #tpu.memory_space<hbm>> -> memref<1x1x16x8x128xf32, #tpu.memory_space<hbm>>
      %dma_wait3A_131 = tpu.memref_squeeze %dma_wait3A_130 : memref<1x1x16x8x128xf32, #tpu.memory_space<hbm>> -> memref<16x8x128xf32, #tpu.memory_space<hbm>>
      %dma_wait3A_132 = tpu.memref_slice %arg10[%dma_wait3A_121] : memref<2x!tpu.dma_semaphore, #tpu.memory_space<semaphore_mem>> -> memref<1x!tpu.dma_semaphore, #tpu.memory_space<semaphore_mem>>
      %dma_wait3A_133 = tpu.memref_squeeze %dma_wait3A_132 : memref<1x!tpu.dma_semaphore, #tpu.memory_space<semaphore_mem>> -> memref<!tpu.dma_semaphore, #tpu.memory_space<semaphore_mem>>
      %dma_wait3A_134 = arith.constant 0 : i32
      %dma_wait3A_135 = arith.constant 0 : i32
      %dma_wait3A_136 = arith.constant 0 : i32
      %dma_wait3A_137 = tpu.memref_slice %arg5[%dma_wait3A_119, %dma_wait3A_120, %dma_wait3A_134, %dma_wait3A_135, %dma_wait3A_136] : memref<4x8x64x8x128xf32, #tpu.memory_space<hbm>> -> memref<1x1x16x8x128xf32, #tpu.memory_space<hbm>>
      %dma_wait3A_138 = tpu.memref_squeeze %dma_wait3A_137 : memref<1x1x16x8x128xf32, #tpu.memory_space<hbm>> -> memref<16x8x128xf32, #tpu.memory_space<hbm>>
      %dma_wait3A_139 = arith.constant 0 : i32
      %dma_wait3A_140 = arith.constant 0 : i32
      %dma_wait3A_141 = arith.constant 0 : i32
      %dma_wait3A_142 = tpu.memref_slice %arg9[%dma_wait3A_118, %dma_wait3A_139, %dma_wait3A_140, %dma_wait3A_141] : memref<2x16x8x128xf32, #tpu.memory_space<vmem>> -> memref<1x16x8x128xf32, #tpu.memory_space<vmem>>
      %dma_wait3A_143 = tpu.memref_squeeze %dma_wait3A_142 : memref<1x16x8x128xf32, #tpu.memory_space<vmem>> -> memref<16x8x128xf32, #tpu.memory_space<vmem>>
      tpu.wait_dma2 semaphore(%dma_wait3A_133 : memref<!tpu.dma_semaphore, #tpu.memory_space<semaphore_mem>>) src(%dma_wait3A_143 : memref<16x8x128xf32, #tpu.memory_space<vmem>>) dst(%dma_wait3A_138 : memref<16x8x128xf32, #tpu.memory_space<hbm>>)
      %dma_wait3A_144 = arith.constant 1 : i32
      %dma_wait3A_145 = arith.constant 0 : i32
      %dma_wait3A_146 = arith.constant 0 : i32
      %dma_wait3A_147 = arith.constant 1 : i32
      %dma_wait3A_148 = arith.constant 0 : i32
      %dma_wait3A_149 = arith.constant 0 : i32
      %dma_wait3A_150 = arith.constant 0 : i32
      %dma_wait3A_151 = tpu.memref_slice %arg9[%dma_wait3A_144, %dma_wait3A_148, %dma_wait3A_149, %dma_wait3A_150] : memref<2x16x8x128xf32, #tpu.memory_space<vmem>> -> memref<1x16x8x128xf32, #tpu.memory_space<vmem>>
      %dma_wait3A_152 = tpu.memref_squeeze %dma_wait3A_151 : memref<1x16x8x128xf32, #tpu.memory_space<vmem>> -> memref<16x8x128xf32, #tpu.memory_space<vmem>>
      %dma_wait3A_153 = arith.constant 0 : i32
      %dma_wait3A_154 = arith.constant 0 : i32
      %dma_wait3A_155 = arith.constant 0 : i32
      %dma_wait3A_156 = tpu.memref_slice %arg5[%dma_wait3A_145, %dma_wait3A_146, %dma_wait3A_153, %dma_wait3A_154, %dma_wait3A_155] : memref<4x8x64x8x128xf32, #tpu.memory_space<hbm>> -> memref<1x1x16x8x128xf32, #tpu.memory_space<hbm>>
      %dma_wait3A_157 = tpu.memref_squeeze %dma_wait3A_156 : memref<1x1x16x8x128xf32, #tpu.memory_space<hbm>> -> memref<16x8x128xf32, #tpu.memory_space<hbm>>
      %dma_wait3A_158 = tpu.memref_slice %arg10[%dma_wait3A_147] : memref<2x!tpu.dma_semaphore, #tpu.memory_space<semaphore_mem>> -> memref<1x!tpu.dma_semaphore, #tpu.memory_space<semaphore_mem>>
      %dma_wait3A_159 = tpu.memref_squeeze %dma_wait3A_158 : memref<1x!tpu.dma_semaphore, #tpu.memory_space<semaphore_mem>> -> memref<!tpu.dma_semaphore, #tpu.memory_space<semaphore_mem>>
      %dma_wait3A_160 = arith.constant 0 : i32
      %dma_wait3A_161 = arith.constant 0 : i32
      %dma_wait3A_162 = arith.constant 0 : i32
      %dma_wait3A_163 = tpu.memref_slice %arg5[%dma_wait3A_145, %dma_wait3A_146, %dma_wait3A_160, %dma_wait3A_161, %dma_wait3A_162] : memref<4x8x64x8x128xf32, #tpu.memory_space<hbm>> -> memref<1x1x16x8x128xf32, #tpu.memory_space<hbm>>
      %dma_wait3A_164 = tpu.memref_squeeze %dma_wait3A_163 : memref<1x1x16x8x128xf32, #tpu.memory_space<hbm>> -> memref<16x8x128xf32, #tpu.memory_space<hbm>>
      %dma_wait3A_165 = arith.constant 0 : i32
      %dma_wait3A_166 = arith.constant 0 : i32
      %dma_wait3A_167 = arith.constant 0 : i32
      %dma_wait3A_168 = tpu.memref_slice %arg9[%dma_wait3A_144, %dma_wait3A_165, %dma_wait3A_166, %dma_wait3A_167] : memref<2x16x8x128xf32, #tpu.memory_space<vmem>> -> memref<1x16x8x128xf32, #tpu.memory_space<vmem>>
      %dma_wait3A_169 = tpu.memref_squeeze %dma_wait3A_168 : memref<1x16x8x128xf32, #tpu.memory_space<vmem>> -> memref<16x8x128xf32, #tpu.memory_space<vmem>>
      tpu.wait_dma2 semaphore(%dma_wait3A_159 : memref<!tpu.dma_semaphore, #tpu.memory_space<semaphore_mem>>) src(%dma_wait3A_169 : memref<16x8x128xf32, #tpu.memory_space<vmem>>) dst(%dma_wait3A_164 : memref<16x8x128xf32, #tpu.memory_space<hbm>>)
    } else {
    }
    %eq3A_74 = arith.constant 1 : i32
    %eq3A_75 = arith.cmpi eq, %select_n3A_40, %eq3A_74 : i32
    %convert_element_type3A_76 = arith.extui %eq3A_75 : i1 to i32
    %cond3A_77 = arith.constant 0 : i32
    %cond3A_78 = arith.cmpi ne, %convert_element_type3A_76, %cond3A_77 : i32
    scf.if %cond3A_78 {
      %dma_start3A = arith.constant 0 : i32
      %dma_start3A_79 = arith.constant 0 : i32
      %dma_start3A_80 = tpu.memref_slice %arg4[%select_n3A_54, %dma_start3A_79] : memref<8x65536xf32, #tpu.memory_space<hbm>> -> memref<1x65536xf32, #tpu.memory_space<hbm>>
      %dma_start3A_81 = tpu.memref_squeeze %dma_start3A_80 : memref<1x65536xf32, #tpu.memory_space<hbm>> -> memref<65536xf32, #tpu.memory_space<hbm>>
      %dma_start3A_82 = tpu.memref_slice %arg10[%dma_start3A] : memref<2x!tpu.dma_semaphore, #tpu.memory_space<semaphore_mem>> -> memref<1x!tpu.dma_semaphore, #tpu.memory_space<semaphore_mem>>
      %dma_start3A_83 = tpu.memref_squeeze %dma_start3A_82 : memref<1x!tpu.dma_semaphore, #tpu.memory_space<semaphore_mem>> -> memref<!tpu.dma_semaphore, #tpu.memory_space<semaphore_mem>>
      %dma_start3A_84 = arith.constant 0 : i32
      %dma_start3A_85 = tpu.memref_slice %arg4[%select_n3A_54, %dma_start3A_84] : memref<8x65536xf32, #tpu.memory_space<hbm>> -> memref<1x65536xf32, #tpu.memory_space<hbm>>
      %dma_start3A_86 = tpu.memref_squeeze %dma_start3A_85 : memref<1x65536xf32, #tpu.memory_space<hbm>> -> memref<65536xf32, #tpu.memory_space<hbm>>
      tpu.enqueue_dma source(%dma_start3A_86 : memref<65536xf32, #tpu.memory_space<hbm>>) target(%arg7 : memref<65536xf32, #tpu.memory_space<vmem>>) target_semaphore(%dma_start3A_83 : memref<!tpu.dma_semaphore, #tpu.memory_space<semaphore_mem>>)
      %mul3A_87 = arith.constant 2 : i32
      %mul3A_88 = arith.muli %select_n3A_70, %mul3A_87 : i32
      %mul3A_89 = arith.constant 64 : i32
      %mul3A_90 = arith.muli %mul3A_88, %mul3A_89 : i32
      %dma_start3A_91 = arith.constant 1 : i32
      %dma_start3A_92 = arith.constant 0 : i32
      %dma_start3A_93 = tpu.memref_slice %arg2[%mul3A_90, %dma_start3A_92] : memref<256x128xi32, #tpu.memory_space<hbm>> -> memref<128x128xi32, #tpu.memory_space<hbm>>
      %dma_start3A_94 = tpu.memref_slice %arg10[%dma_start3A_91] : memref<2x!tpu.dma_semaphore, #tpu.memory_space<semaphore_mem>> -> memref<1x!tpu.dma_semaphore, #tpu.memory_space<semaphore_mem>>
      %dma_start3A_95 = tpu.memref_squeeze %dma_start3A_94 : memref<1x!tpu.dma_semaphore, #tpu.memory_space<semaphore_mem>> -> memref<!tpu.dma_semaphore, #tpu.memory_space<semaphore_mem>>
      %dma_start3A_96 = arith.constant 0 : i32
      %dma_start3A_97 = tpu.memref_slice %arg2[%mul3A_90, %dma_start3A_96] : memref<256x128xi32, #tpu.memory_space<hbm>> -> memref<128x128xi32, #tpu.memory_space<hbm>>
      tpu.enqueue_dma source(%dma_start3A_97 : memref<128x128xi32, #tpu.memory_space<hbm>>) target(%arg8 : memref<128x128xi32, #tpu.memory_space<vmem>>) target_semaphore(%dma_start3A_95 : memref<!tpu.dma_semaphore, #tpu.memory_space<semaphore_mem>>)
      %dma_wait3A = arith.constant 1 : i32
      %dma_wait3A_98 = arith.constant 0 : i32
      %dma_wait3A_99 = tpu.memref_slice %arg2[%mul3A_90, %dma_wait3A_98] : memref<256x128xi32, #tpu.memory_space<hbm>> -> memref<128x128xi32, #tpu.memory_space<hbm>>
      %dma_wait3A_100 = tpu.memref_slice %arg10[%dma_wait3A] : memref<2x!tpu.dma_semaphore, #tpu.memory_space<semaphore_mem>> -> memref<1x!tpu.dma_semaphore, #tpu.memory_space<semaphore_mem>>
      %dma_wait3A_101 = tpu.memref_squeeze %dma_wait3A_100 : memref<1x!tpu.dma_semaphore, #tpu.memory_space<semaphore_mem>> -> memref<!tpu.dma_semaphore, #tpu.memory_space<semaphore_mem>>
      %dma_wait3A_102 = arith.constant 0 : i32
      %dma_wait3A_103 = tpu.memref_slice %arg2[%mul3A_90, %dma_wait3A_102] : memref<256x128xi32, #tpu.memory_space<hbm>> -> memref<128x128xi32, #tpu.memory_space<hbm>>
      tpu.wait_dma2 semaphore(%dma_wait3A_101 : memref<!tpu.dma_semaphore, #tpu.memory_space<semaphore_mem>>) src(%dma_wait3A_103 : memref<128x128xi32, #tpu.memory_space<hbm>>) dst(%arg8 : memref<128x128xi32, #tpu.memory_space<vmem>>)
      %dma_wait3A_104 = arith.constant 0 : i32
      %dma_wait3A_105 = arith.constant 0 : i32
      %dma_wait3A_106 = tpu.memref_slice %arg4[%select_n3A_54, %dma_wait3A_105] : memref<8x65536xf32, #tpu.memory_space<hbm>> -> memref<1x65536xf32, #tpu.memory_space<hbm>>
      %dma_wait3A_107 = tpu.memref_squeeze %dma_wait3A_106 : memref<1x65536xf32, #tpu.memory_space<hbm>> -> memref<65536xf32, #tpu.memory_space<hbm>>
      %dma_wait3A_108 = tpu.memref_slice %arg10[%dma_wait3A_104] : memref<2x!tpu.dma_semaphore, #tpu.memory_space<semaphore_mem>> -> memref<1x!tpu.dma_semaphore, #tpu.memory_space<semaphore_mem>>
      %dma_wait3A_109 = tpu.memref_squeeze %dma_wait3A_108 : memref<1x!tpu.dma_semaphore, #tpu.memory_space<semaphore_mem>> -> memref<!tpu.dma_semaphore, #tpu.memory_space<semaphore_mem>>
      %dma_wait3A_110 = arith.constant 0 : i32
      %dma_wait3A_111 = tpu.memref_slice %arg4[%select_n3A_54, %dma_wait3A_110] : memref<8x65536xf32, #tpu.memory_space<hbm>> -> memref<1x65536xf32, #tpu.memory_space<hbm>>
      %dma_wait3A_112 = tpu.memref_squeeze %dma_wait3A_111 : memref<1x65536xf32, #tpu.memory_space<hbm>> -> memref<65536xf32, #tpu.memory_space<hbm>>
      tpu.wait_dma2 semaphore(%dma_wait3A_109 : memref<!tpu.dma_semaphore, #tpu.memory_space<semaphore_mem>>) src(%dma_wait3A_112 : memref<65536xf32, #tpu.memory_space<hbm>>) dst(%arg7 : memref<65536xf32, #tpu.memory_space<vmem>>)
      %scan3A = arith.constant 0 : i32
      %scan3A_113 = arith.constant 0 : i32
      %scan3A_114 = arith.constant 8 : i32
      %scan3A_115 = arith.addi %scan3A_113, %scan3A_114 : i32
      %scan3A_116 = arith.constant 1 : i32
      scf.for %scan3A_170 = %scan3A_113 to %scan3A_115 step %scan3A_116  : i32 {
        %jit3A_171 = arith.constant 4 : i32
        %div3A_172 = arith.divsi %scan3A_170, %jit3A_171 : i32
        %sign3A_173 = arith.constant 0 : i32
        %sign3A_174 = arith.cmpi sgt, %scan3A_170, %sign3A_173 : i32
        %sign3A_175 = arith.extui %sign3A_174 : i1 to i32
        %sign3A_176 = arith.constant 0 : i32
        %sign3A_177 = arith.cmpi slt, %scan3A_170, %sign3A_176 : i32
        %sign3A_178 = arith.extui %sign3A_177 : i1 to i32
        %sign3A_179 = arith.subi %sign3A_175, %sign3A_178 : i32
        %sign3A_180 = arith.constant 0 : i32
        %sign3A_181 = arith.cmpi sgt, %jit3A_171, %sign3A_180 : i32
        %sign3A_182 = arith.extui %sign3A_181 : i1 to i32
        %sign3A_183 = arith.constant 0 : i32
        %sign3A_184 = arith.cmpi slt, %jit3A_171, %sign3A_183 : i32
        %sign3A_185 = arith.extui %sign3A_184 : i1 to i32
        %sign3A_186 = arith.subi %sign3A_182, %sign3A_185 : i32
        %ne3A_187 = arith.cmpi ne, %sign3A_179, %sign3A_186 : i32
        %rem3A_188 = arith.remsi %scan3A_170, %jit3A_171 : i32
        %ne3A_189 = arith.constant 0 : i32
        %ne3A_190 = arith.cmpi ne, %rem3A_188, %ne3A_189 : i32
        %and3A_191 = arith.andi %ne3A_187, %ne3A_190 : i1
        %sub3A_192 = arith.constant 1 : i32
        %sub3A_193 = arith.subi %div3A_172, %sub3A_192 : i32
        %select_n3A_194 = arith.select %and3A_191, %sub3A_193, %div3A_172 : i32
        %jit3A_195 = arith.constant 4 : i32
        %eq3A_196 = arith.constant 0 : i32
        %eq3A_197 = arith.cmpi eq, %jit3A_195, %eq3A_196 : i32
        %jit3A_198 = arith.constant 1 : i32
        %select_n3A_199 = arith.select %eq3A_197, %jit3A_198, %jit3A_195 : i32
        %rem3A_200 = arith.remsi %scan3A_170, %select_n3A_199 : i32
        %ne3A_201 = arith.constant 0 : i32
        %ne3A_202 = arith.cmpi ne, %rem3A_200, %ne3A_201 : i32
        %lt3A_203 = arith.constant 0 : i32
        %lt3A_204 = arith.cmpi slt, %rem3A_200, %lt3A_203 : i32
        %lt3A_205 = arith.constant 0 : i32
        %lt3A_206 = arith.cmpi slt, %select_n3A_199, %lt3A_205 : i32
        %ne3A_207 = arith.xori %lt3A_204, %lt3A_206 : i1
        %and3A_208 = arith.andi %ne3A_207, %ne3A_202 : i1
        %add3A_209 = arith.addi %rem3A_200, %select_n3A_199 : i32
        %select_n3A_210 = arith.select %and3A_208, %add3A_209, %rem3A_200 : i32
        %mul3A_211 = arith.constant 2 : i32
        %mul3A_212 = arith.muli %select_n3A_70, %mul3A_211 : i32
        %add3A_213 = arith.addi %mul3A_212, %select_n3A_194 : i32
        %jit3A_214 = arith.constant 2 : i32
        %eq3A_215 = arith.constant 0 : i32
        %eq3A_216 = arith.cmpi eq, %jit3A_214, %eq3A_215 : i32
        %jit3A_217 = arith.constant 1 : i32
        %select_n3A_218 = arith.select %eq3A_216, %jit3A_217, %jit3A_214 : i32
        %rem3A_219 = arith.remsi %scan3A_170, %select_n3A_218 : i32
        %ne3A_220 = arith.constant 0 : i32
        %ne3A_221 = arith.cmpi ne, %rem3A_219, %ne3A_220 : i32
        %lt3A_222 = arith.constant 0 : i32
        %lt3A_223 = arith.cmpi slt, %rem3A_219, %lt3A_222 : i32
        %lt3A_224 = arith.constant 0 : i32
        %lt3A_225 = arith.cmpi slt, %select_n3A_218, %lt3A_224 : i32
        %ne3A_226 = arith.xori %lt3A_223, %lt3A_225 : i1
        %and3A_227 = arith.andi %ne3A_226, %ne3A_221 : i1
        %add3A_228 = arith.addi %rem3A_219, %select_n3A_218 : i32
        %select_n3A_229 = arith.select %and3A_227, %add3A_228, %rem3A_219 : i32
        %ge3A = arith.constant 2 : i32
        %ge3A_230 = arith.cmpi sge, %scan3A_170, %ge3A : i32
        %convert_element_type3A_231 = arith.extui %ge3A_230 : i1 to i32
        %cond3A_232 = arith.constant 0 : i32
        %cond3A_233 = arith.cmpi ne, %convert_element_type3A_231, %cond3A_232 : i32
        scf.if %cond3A_233 {
          %mul3A_258 = arith.constant 16 : i32
          %mul3A_259 = arith.muli %select_n3A_210, %mul3A_258 : i32
          %dma_wait3A_260 = arith.constant 0 : i32
          %dma_wait3A_261 = arith.constant 0 : i32
          %dma_wait3A_262 = arith.constant 0 : i32
          %dma_wait3A_263 = tpu.memref_slice %arg9[%select_n3A_229, %dma_wait3A_260, %dma_wait3A_261, %dma_wait3A_262] : memref<2x16x8x128xf32, #tpu.memory_space<vmem>> -> memref<1x16x8x128xf32, #tpu.memory_space<vmem>>
          %dma_wait3A_264 = tpu.memref_squeeze %dma_wait3A_263 : memref<1x16x8x128xf32, #tpu.memory_space<vmem>> -> memref<16x8x128xf32, #tpu.memory_space<vmem>>
          %dma_wait3A_265 = arith.constant 0 : i32
          %dma_wait3A_266 = arith.constant 0 : i32
          %dma_wait3A_267 = tpu.memref_slice %arg6[%add3A_213, %select_n3A_54, %mul3A_259, %dma_wait3A_265, %dma_wait3A_266] : memref<4x8x64x8x128xf32, #tpu.memory_space<hbm>> -> memref<1x1x16x8x128xf32, #tpu.memory_space<hbm>>
          %dma_wait3A_268 = tpu.memref_squeeze %dma_wait3A_267 : memref<1x1x16x8x128xf32, #tpu.memory_space<hbm>> -> memref<16x8x128xf32, #tpu.memory_space<hbm>>
          %dma_wait3A_269 = tpu.memref_slice %arg10[%select_n3A_229] : memref<2x!tpu.dma_semaphore, #tpu.memory_space<semaphore_mem>> -> memref<1x!tpu.dma_semaphore, #tpu.memory_space<semaphore_mem>>
          %dma_wait3A_270 = tpu.memref_squeeze %dma_wait3A_269 : memref<1x!tpu.dma_semaphore, #tpu.memory_space<semaphore_mem>> -> memref<!tpu.dma_semaphore, #tpu.memory_space<semaphore_mem>>
          %dma_wait3A_271 = arith.constant 0 : i32
          %dma_wait3A_272 = arith.constant 0 : i32
          %dma_wait3A_273 = tpu.memref_slice %arg6[%add3A_213, %select_n3A_54, %mul3A_259, %dma_wait3A_271, %dma_wait3A_272] : memref<4x8x64x8x128xf32, #tpu.memory_space<hbm>> -> memref<1x1x16x8x128xf32, #tpu.memory_space<hbm>>
          %dma_wait3A_274 = tpu.memref_squeeze %dma_wait3A_273 : memref<1x1x16x8x128xf32, #tpu.memory_space<hbm>> -> memref<16x8x128xf32, #tpu.memory_space<hbm>>
          %dma_wait3A_275 = arith.constant 0 : i32
          %dma_wait3A_276 = arith.constant 0 : i32
          %dma_wait3A_277 = arith.constant 0 : i32
          %dma_wait3A_278 = tpu.memref_slice %arg9[%select_n3A_229, %dma_wait3A_275, %dma_wait3A_276, %dma_wait3A_277] : memref<2x16x8x128xf32, #tpu.memory_space<vmem>> -> memref<1x16x8x128xf32, #tpu.memory_space<vmem>>
          %dma_wait3A_279 = tpu.memref_squeeze %dma_wait3A_278 : memref<1x16x8x128xf32, #tpu.memory_space<vmem>> -> memref<16x8x128xf32, #tpu.memory_space<vmem>>
          tpu.wait_dma2 semaphore(%dma_wait3A_270 : memref<!tpu.dma_semaphore, #tpu.memory_space<semaphore_mem>>) src(%dma_wait3A_279 : memref<16x8x128xf32, #tpu.memory_space<vmem>>) dst(%dma_wait3A_274 : memref<16x8x128xf32, #tpu.memory_space<hbm>>)
        } else {
        }
        %parallel_loop3A = arith.constant 0 : i32
        %parallel_loop3A_234 = arith.constant 128 : i32
        %parallel_loop3A_235 = arith.constant 1 : i32
        scf.for %parallel_loop3A_258 = %parallel_loop3A to %parallel_loop3A_234 step %parallel_loop3A_235  : i32 {
          %parallel_loop3A_259 = arith.constant 64 : i32
          %parallel_loop3A_260 = arith.muli %select_n3A_194, %parallel_loop3A_259 : i32
          %parallel_loop3A_261 = arith.constant 16 : i32
          %parallel_loop3A_262 = arith.muli %select_n3A_210, %parallel_loop3A_261 : i32
          %parallel_loop3A_263 = arith.addi %parallel_loop3A_260, %parallel_loop3A_262 : i32
          %parallel_loop3A_264 = arith.constant 3 : i32
          %parallel_loop3A_265 = arith.shrsi %parallel_loop3A_258, %parallel_loop3A_264 : i32
          %parallel_loop3A_266 = arith.addi %parallel_loop3A_263, %parallel_loop3A_265 : i32
          %parallel_loop3A_267 = arith.constant 7 : i32
          %parallel_loop3A_268 = arith.andi %parallel_loop3A_258, %parallel_loop3A_267 : i32
          %parallel_loop3A_269 = arith.constant 16 : i32
          %parallel_loop3A_270 = arith.muli %parallel_loop3A_268, %parallel_loop3A_269 : i32
          %parallel_loop3A_271 = arith.index_cast %parallel_loop3A_266 : i32 to index
          %parallel_loop3A_272 = arith.index_cast %parallel_loop3A_270 : i32 to index
          %parallel_loop3A_273 = tpu.vector_load %arg8[%parallel_loop3A_271, %parallel_loop3A_272] {strides = array<i32>} : memref<128x128xi32, #tpu.memory_space<vmem>>, vector<16xi32>,
          %parallel_loop3A_274 = arith.constant 7 : i32
          %parallel_loop3A_275 = vector.broadcast %parallel_loop3A_274 : i32 to vector<16xi32>
          %parallel_loop3A_276 = arith.shrsi %parallel_loop3A_273, %parallel_loop3A_275 : vector<16xi32>
          %parallel_loop3A_277 = arith.constant 10 : i32
          %parallel_loop3A_278 = vector.broadcast %parallel_loop3A_277 : i32 to vector<16xi32>
          %parallel_loop3A_279 = arith.shli %parallel_loop3A_276, %parallel_loop3A_278 : vector<16xi32>
          %parallel_loop3A_280 = arith.constant 127 : i32
          %parallel_loop3A_281 = vector.broadcast %parallel_loop3A_280 : i32 to vector<16xi32>
          %parallel_loop3A_282 = arith.andi %parallel_loop3A_273, %parallel_loop3A_281 : vector<16xi32>
          %parallel_loop3A_283 = arith.addi %parallel_loop3A_279, %parallel_loop3A_282 : vector<16xi32>
          %parallel_loop3A_284 = arith.constant 0 : i32
          %parallel_loop3A_285 = vector.broadcast %parallel_loop3A_284 : i32 to vector<16xi32>
          %parallel_loop3A_286 = arith.addi %parallel_loop3A_283, %parallel_loop3A_285 : vector<16xi32>
          %parallel_loop3A_287 = tpu.vector_load_idx %arg7[%parallel_loop3A_286] : memref<65536xf32, #tpu.memory_space<vmem>>[vector<16xi32>], vector<16xf32>,
          %parallel_loop3A_288 = arith.constant 3 : i32
          %parallel_loop3A_289 = arith.shrsi %parallel_loop3A_258, %parallel_loop3A_288 : i32
          %parallel_loop3A_290 = arith.constant 7 : i32
          %parallel_loop3A_291 = arith.andi %parallel_loop3A_258, %parallel_loop3A_290 : i32
          %parallel_loop3A_292 = arith.constant 16 : i32
          %parallel_loop3A_293 = arith.muli %parallel_loop3A_291, %parallel_loop3A_292 : i32
          %parallel_loop3A_294 = arith.constant 0 : i32
          %parallel_loop3A_295 = arith.index_cast %select_n3A_229 : i32 to index
          %parallel_loop3A_296 = arith.index_cast %parallel_loop3A_289 : i32 to index
          %parallel_loop3A_297 = arith.index_cast %parallel_loop3A_294 : i32 to index
          %parallel_loop3A_298 = arith.index_cast %parallel_loop3A_293 : i32 to index
          %parallel_loop3A_299 = tpu.vector_load %arg9[%parallel_loop3A_295, %parallel_loop3A_296, %parallel_loop3A_297, %parallel_loop3A_298] {strides = array<i32>} : memref<2x16x8x128xf32, #tpu.memory_space<vmem>>, vector<16xf32>,
          tpu.vector_store %arg9[%parallel_loop3A_295, %parallel_loop3A_296, %parallel_loop3A_297, %parallel_loop3A_298], %parallel_loop3A_287 {strides = array<i32>} : memref<2x16x8x128xf32, #tpu.memory_space<vmem>>, vector<16xf32>,
          %parallel_loop3A_300 = arith.constant 128 : i32
          %parallel_loop3A_301 = vector.broadcast %parallel_loop3A_300 : i32 to vector<16xi32>
          %parallel_loop3A_302 = arith.addi %parallel_loop3A_283, %parallel_loop3A_301 : vector<16xi32>
          %parallel_loop3A_303 = tpu.vector_load_idx %arg7[%parallel_loop3A_302] : memref<65536xf32, #tpu.memory_space<vmem>>[vector<16xi32>], vector<16xf32>,
          %parallel_loop3A_304 = arith.constant 3 : i32
          %parallel_loop3A_305 = arith.shrsi %parallel_loop3A_258, %parallel_loop3A_304 : i32
          %parallel_loop3A_306 = arith.constant 7 : i32
          %parallel_loop3A_307 = arith.andi %parallel_loop3A_258, %parallel_loop3A_306 : i32
          %parallel_loop3A_308 = arith.constant 16 : i32
          %parallel_loop3A_309 = arith.muli %parallel_loop3A_307, %parallel_loop3A_308 : i32
          %parallel_loop3A_310 = arith.constant 1 : i32
          %parallel_loop3A_311 = arith.index_cast %select_n3A_229 : i32 to index
          %parallel_loop3A_312 = arith.index_cast %parallel_loop3A_305 : i32 to index
          %parallel_loop3A_313 = arith.index_cast %parallel_loop3A_310 : i32 to index
          %parallel_loop3A_314 = arith.index_cast %parallel_loop3A_309 : i32 to index
          %parallel_loop3A_315 = tpu.vector_load %arg9[%parallel_loop3A_311, %parallel_loop3A_312, %parallel_loop3A_313, %parallel_loop3A_314] {strides = array<i32>} : memref<2x16x8x128xf32, #tpu.memory_space<vmem>>, vector<16xf32>,
          tpu.vector_store %arg9[%parallel_loop3A_311, %parallel_loop3A_312, %parallel_loop3A_313, %parallel_loop3A_314], %parallel_loop3A_303 {strides = array<i32>} : memref<2x16x8x128xf32, #tpu.memory_space<vmem>>, vector<16xf32>,
          %parallel_loop3A_316 = arith.constant 256 : i32
          %parallel_loop3A_317 = vector.broadcast %parallel_loop3A_316 : i32 to vector<16xi32>
          %parallel_loop3A_318 = arith.addi %parallel_loop3A_283, %parallel_loop3A_317 : vector<16xi32>
          %parallel_loop3A_319 = tpu.vector_load_idx %arg7[%parallel_loop3A_318] : memref<65536xf32, #tpu.memory_space<vmem>>[vector<16xi32>], vector<16xf32>,
          %parallel_loop3A_320 = arith.constant 3 : i32
          %parallel_loop3A_321 = arith.shrsi %parallel_loop3A_258, %parallel_loop3A_320 : i32
          %parallel_loop3A_322 = arith.constant 7 : i32
          %parallel_loop3A_323 = arith.andi %parallel_loop3A_258, %parallel_loop3A_322 : i32
          %parallel_loop3A_324 = arith.constant 16 : i32
          %parallel_loop3A_325 = arith.muli %parallel_loop3A_323, %parallel_loop3A_324 : i32
          %parallel_loop3A_326 = arith.constant 2 : i32
          %parallel_loop3A_327 = arith.index_cast %select_n3A_229 : i32 to index
          %parallel_loop3A_328 = arith.index_cast %parallel_loop3A_321 : i32 to index
          %parallel_loop3A_329 = arith.index_cast %parallel_loop3A_326 : i32 to index
          %parallel_loop3A_330 = arith.index_cast %parallel_loop3A_325 : i32 to index
          %parallel_loop3A_331 = tpu.vector_load %arg9[%parallel_loop3A_327, %parallel_loop3A_328, %parallel_loop3A_329, %parallel_loop3A_330] {strides = array<i32>} : memref<2x16x8x128xf32, #tpu.memory_space<vmem>>, vector<16xf32>,
          tpu.vector_store %arg9[%parallel_loop3A_327, %parallel_loop3A_328, %parallel_loop3A_329, %parallel_loop3A_330], %parallel_loop3A_319 {strides = array<i32>} : memref<2x16x8x128xf32, #tpu.memory_space<vmem>>, vector<16xf32>,
          %parallel_loop3A_332 = arith.constant 384 : i32
          %parallel_loop3A_333 = vector.broadcast %parallel_loop3A_332 : i32 to vector<16xi32>
          %parallel_loop3A_334 = arith.addi %parallel_loop3A_283, %parallel_loop3A_333 : vector<16xi32>
          %parallel_loop3A_335 = tpu.vector_load_idx %arg7[%parallel_loop3A_334] : memref<65536xf32, #tpu.memory_space<vmem>>[vector<16xi32>], vector<16xf32>,
          %parallel_loop3A_336 = arith.constant 3 : i32
          %parallel_loop3A_337 = arith.shrsi %parallel_loop3A_258, %parallel_loop3A_336 : i32
          %parallel_loop3A_338 = arith.constant 7 : i32
          %parallel_loop3A_339 = arith.andi %parallel_loop3A_258, %parallel_loop3A_338 : i32
          %parallel_loop3A_340 = arith.constant 16 : i32
          %parallel_loop3A_341 = arith.muli %parallel_loop3A_339, %parallel_loop3A_340 : i32
          %parallel_loop3A_342 = arith.constant 3 : i32
          %parallel_loop3A_343 = arith.index_cast %select_n3A_229 : i32 to index
          %parallel_loop3A_344 = arith.index_cast %parallel_loop3A_337 : i32 to index
          %parallel_loop3A_345 = arith.index_cast %parallel_loop3A_342 : i32 to index
          %parallel_loop3A_346 = arith.index_cast %parallel_loop3A_341 : i32 to index
          %parallel_loop3A_347 = tpu.vector_load %arg9[%parallel_loop3A_343, %parallel_loop3A_344, %parallel_loop3A_345, %parallel_loop3A_346] {strides = array<i32>} : memref<2x16x8x128xf32, #tpu.memory_space<vmem>>, vector<16xf32>,
          tpu.vector_store %arg9[%parallel_loop3A_343, %parallel_loop3A_344, %parallel_loop3A_345, %parallel_loop3A_346], %parallel_loop3A_335 {strides = array<i32>} : memref<2x16x8x128xf32, #tpu.memory_space<vmem>>, vector<16xf32>,
          %parallel_loop3A_348 = arith.constant 512 : i32
          %parallel_loop3A_349 = vector.broadcast %parallel_loop3A_348 : i32 to vector<16xi32>
          %parallel_loop3A_350 = arith.addi %parallel_loop3A_283, %parallel_loop3A_349 : vector<16xi32>
          %parallel_loop3A_351 = tpu.vector_load_idx %arg7[%parallel_loop3A_350] : memref<65536xf32, #tpu.memory_space<vmem>>[vector<16xi32>], vector<16xf32>,
          %parallel_loop3A_352 = arith.constant 3 : i32
          %parallel_loop3A_353 = arith.shrsi %parallel_loop3A_258, %parallel_loop3A_352 : i32
          %parallel_loop3A_354 = arith.constant 7 : i32
          %parallel_loop3A_355 = arith.andi %parallel_loop3A_258, %parallel_loop3A_354 : i32
          %parallel_loop3A_356 = arith.constant 16 : i32
          %parallel_loop3A_357 = arith.muli %parallel_loop3A_355, %parallel_loop3A_356 : i32
          %parallel_loop3A_358 = arith.constant 4 : i32
          %parallel_loop3A_359 = arith.index_cast %select_n3A_229 : i32 to index
          %parallel_loop3A_360 = arith.index_cast %parallel_loop3A_353 : i32 to index
          %parallel_loop3A_361 = arith.index_cast %parallel_loop3A_358 : i32 to index
          %parallel_loop3A_362 = arith.index_cast %parallel_loop3A_357 : i32 to index
          %parallel_loop3A_363 = tpu.vector_load %arg9[%parallel_loop3A_359, %parallel_loop3A_360, %parallel_loop3A_361, %parallel_loop3A_362] {strides = array<i32>} : memref<2x16x8x128xf32, #tpu.memory_space<vmem>>, vector<16xf32>,
          tpu.vector_store %arg9[%parallel_loop3A_359, %parallel_loop3A_360, %parallel_loop3A_361, %parallel_loop3A_362], %parallel_loop3A_351 {strides = array<i32>} : memref<2x16x8x128xf32, #tpu.memory_space<vmem>>, vector<16xf32>,
          %parallel_loop3A_364 = arith.constant 640 : i32
          %parallel_loop3A_365 = vector.broadcast %parallel_loop3A_364 : i32 to vector<16xi32>
          %parallel_loop3A_366 = arith.addi %parallel_loop3A_283, %parallel_loop3A_365 : vector<16xi32>
          %parallel_loop3A_367 = tpu.vector_load_idx %arg7[%parallel_loop3A_366] : memref<65536xf32, #tpu.memory_space<vmem>>[vector<16xi32>], vector<16xf32>,
          %parallel_loop3A_368 = arith.constant 3 : i32
          %parallel_loop3A_369 = arith.shrsi %parallel_loop3A_258, %parallel_loop3A_368 : i32
          %parallel_loop3A_370 = arith.constant 7 : i32
          %parallel_loop3A_371 = arith.andi %parallel_loop3A_258, %parallel_loop3A_370 : i32
          %parallel_loop3A_372 = arith.constant 16 : i32
          %parallel_loop3A_373 = arith.muli %parallel_loop3A_371, %parallel_loop3A_372 : i32
          %parallel_loop3A_374 = arith.constant 5 : i32
          %parallel_loop3A_375 = arith.index_cast %select_n3A_229 : i32 to index
          %parallel_loop3A_376 = arith.index_cast %parallel_loop3A_369 : i32 to index
          %parallel_loop3A_377 = arith.index_cast %parallel_loop3A_374 : i32 to index
          %parallel_loop3A_378 = arith.index_cast %parallel_loop3A_373 : i32 to index
          %parallel_loop3A_379 = tpu.vector_load %arg9[%parallel_loop3A_375, %parallel_loop3A_376, %parallel_loop3A_377, %parallel_loop3A_378] {strides = array<i32>} : memref<2x16x8x128xf32, #tpu.memory_space<vmem>>, vector<16xf32>,
          tpu.vector_store %arg9[%parallel_loop3A_375, %parallel_loop3A_376, %parallel_loop3A_377, %parallel_loop3A_378], %parallel_loop3A_367 {strides = array<i32>} : memref<2x16x8x128xf32, #tpu.memory_space<vmem>>, vector<16xf32>,
          %parallel_loop3A_380 = arith.constant 768 : i32
          %parallel_loop3A_381 = vector.broadcast %parallel_loop3A_380 : i32 to vector<16xi32>
          %parallel_loop3A_382 = arith.addi %parallel_loop3A_283, %parallel_loop3A_381 : vector<16xi32>
          %parallel_loop3A_383 = tpu.vector_load_idx %arg7[%parallel_loop3A_382] : memref<65536xf32, #tpu.memory_space<vmem>>[vector<16xi32>], vector<16xf32>,
          %parallel_loop3A_384 = arith.constant 3 : i32
          %parallel_loop3A_385 = arith.shrsi %parallel_loop3A_258, %parallel_loop3A_384 : i32
          %parallel_loop3A_386 = arith.constant 7 : i32
          %parallel_loop3A_387 = arith.andi %parallel_loop3A_258, %parallel_loop3A_386 : i32
          %parallel_loop3A_388 = arith.constant 16 : i32
          %parallel_loop3A_389 = arith.muli %parallel_loop3A_387, %parallel_loop3A_388 : i32
          %parallel_loop3A_390 = arith.constant 6 : i32
          %parallel_loop3A_391 = arith.index_cast %select_n3A_229 : i32 to index
          %parallel_loop3A_392 = arith.index_cast %parallel_loop3A_385 : i32 to index
          %parallel_loop3A_393 = arith.index_cast %parallel_loop3A_390 : i32 to index
          %parallel_loop3A_394 = arith.index_cast %parallel_loop3A_389 : i32 to index
          %parallel_loop3A_395 = tpu.vector_load %arg9[%parallel_loop3A_391, %parallel_loop3A_392, %parallel_loop3A_393, %parallel_loop3A_394] {strides = array<i32>} : memref<2x16x8x128xf32, #tpu.memory_space<vmem>>, vector<16xf32>,
          tpu.vector_store %arg9[%parallel_loop3A_391, %parallel_loop3A_392, %parallel_loop3A_393, %parallel_loop3A_394], %parallel_loop3A_383 {strides = array<i32>} : memref<2x16x8x128xf32, #tpu.memory_space<vmem>>, vector<16xf32>,
          %parallel_loop3A_396 = arith.constant 896 : i32
          %parallel_loop3A_397 = vector.broadcast %parallel_loop3A_396 : i32 to vector<16xi32>
          %parallel_loop3A_398 = arith.addi %parallel_loop3A_283, %parallel_loop3A_397 : vector<16xi32>
          %parallel_loop3A_399 = tpu.vector_load_idx %arg7[%parallel_loop3A_398] : memref<65536xf32, #tpu.memory_space<vmem>>[vector<16xi32>], vector<16xf32>,
          %parallel_loop3A_400 = arith.constant 3 : i32
          %parallel_loop3A_401 = arith.shrsi %parallel_loop3A_258, %parallel_loop3A_400 : i32
          %parallel_loop3A_402 = arith.constant 7 : i32
          %parallel_loop3A_403 = arith.andi %parallel_loop3A_258, %parallel_loop3A_402 : i32
          %parallel_loop3A_404 = arith.constant 16 : i32
          %parallel_loop3A_405 = arith.muli %parallel_loop3A_403, %parallel_loop3A_404 : i32
          %parallel_loop3A_406 = arith.constant 7 : i32
          %parallel_loop3A_407 = arith.index_cast %select_n3A_229 : i32 to index
          %parallel_loop3A_408 = arith.index_cast %parallel_loop3A_401 : i32 to index
          %parallel_loop3A_409 = arith.index_cast %parallel_loop3A_406 : i32 to index
          %parallel_loop3A_410 = arith.index_cast %parallel_loop3A_405 : i32 to index
          %parallel_loop3A_411 = tpu.vector_load %arg9[%parallel_loop3A_407, %parallel_loop3A_408, %parallel_loop3A_409, %parallel_loop3A_410] {strides = array<i32>} : memref<2x16x8x128xf32, #tpu.memory_space<vmem>>, vector<16xf32>,
          tpu.vector_store %arg9[%parallel_loop3A_407, %parallel_loop3A_408, %parallel_loop3A_409, %parallel_loop3A_410], %parallel_loop3A_399 {strides = array<i32>} : memref<2x16x8x128xf32, #tpu.memory_space<vmem>>, vector<16xf32>,
        } {sc.loop_unroll_factor = 4 : i64, sc.parallel_access}
        %mul3A_236 = arith.constant 16 : i32
        %mul3A_237 = arith.muli %select_n3A_210, %mul3A_236 : i32
        %dma_start3A_238 = arith.constant 0 : i32
        %dma_start3A_239 = arith.constant 0 : i32
        %dma_start3A_240 = arith.constant 0 : i32
        %dma_start3A_241 = tpu.memref_slice %arg9[%select_n3A_229, %dma_start3A_238, %dma_start3A_239, %dma_start3A_240] : memref<2x16x8x128xf32, #tpu.memory_space<vmem>> -> memref<1x16x8x128xf32, #tpu.memory_space<vmem>>
        %dma_start3A_242 = tpu.memref_squeeze %dma_start3A_241 : memref<1x16x8x128xf32, #tpu.memory_space<vmem>> -> memref<16x8x128xf32, #tpu.memory_space<vmem>>
        %dma_start3A_243 = arith.constant 0 : i32
        %dma_start3A_244 = arith.constant 0 : i32
        %dma_start3A_245 = tpu.memref_slice %arg6[%add3A_213, %select_n3A_54, %mul3A_237, %dma_start3A_243, %dma_start3A_244] : memref<4x8x64x8x128xf32, #tpu.memory_space<hbm>> -> memref<1x1x16x8x128xf32, #tpu.memory_space<hbm>>
        %dma_start3A_246 = tpu.memref_squeeze %dma_start3A_245 : memref<1x1x16x8x128xf32, #tpu.memory_space<hbm>> -> memref<16x8x128xf32, #tpu.memory_space<hbm>>
        %dma_start3A_247 = tpu.memref_slice %arg10[%select_n3A_229] : memref<2x!tpu.dma_semaphore, #tpu.memory_space<semaphore_mem>> -> memref<1x!tpu.dma_semaphore, #tpu.memory_space<semaphore_mem>>
        %dma_start3A_248 = tpu.memref_squeeze %dma_start3A_247 : memref<1x!tpu.dma_semaphore, #tpu.memory_space<semaphore_mem>> -> memref<!tpu.dma_semaphore, #tpu.memory_space<semaphore_mem>>
        %dma_start3A_249 = arith.constant 0 : i32
        %dma_start3A_250 = arith.constant 0 : i32
        %dma_start3A_251 = tpu.memref_slice %arg6[%add3A_213, %select_n3A_54, %mul3A_237, %dma_start3A_249, %dma_start3A_250] : memref<4x8x64x8x128xf32, #tpu.memory_space<hbm>> -> memref<1x1x16x8x128xf32, #tpu.memory_space<hbm>>
        %dma_start3A_252 = tpu.memref_squeeze %dma_start3A_251 : memref<1x1x16x8x128xf32, #tpu.memory_space<hbm>> -> memref<16x8x128xf32, #tpu.memory_space<hbm>>
        %dma_start3A_253 = arith.constant 0 : i32
        %dma_start3A_254 = arith.constant 0 : i32
        %dma_start3A_255 = arith.constant 0 : i32
        %dma_start3A_256 = tpu.memref_slice %arg9[%select_n3A_229, %dma_start3A_253, %dma_start3A_254, %dma_start3A_255] : memref<2x16x8x128xf32, #tpu.memory_space<vmem>> -> memref<1x16x8x128xf32, #tpu.memory_space<vmem>>
        %dma_start3A_257 = tpu.memref_squeeze %dma_start3A_256 : memref<1x16x8x128xf32, #tpu.memory_space<vmem>> -> memref<16x8x128xf32, #tpu.memory_space<vmem>>
        tpu.enqueue_dma source(%dma_start3A_257 : memref<16x8x128xf32, #tpu.memory_space<vmem>>) target(%dma_start3A_252 : memref<16x8x128xf32, #tpu.memory_space<hbm>>) target_semaphore(%dma_start3A_248 : memref<!tpu.dma_semaphore, #tpu.memory_space<semaphore_mem>>)
      }
      %scan3A_117 = arith.constant 8 : i32
      %dma_wait3A_118 = arith.constant 0 : i32
      %dma_wait3A_119 = arith.constant 0 : i32
      %dma_wait3A_120 = arith.constant 0 : i32
      %dma_wait3A_121 = arith.constant 0 : i32
      %dma_wait3A_122 = arith.constant 0 : i32
      %dma_wait3A_123 = arith.constant 0 : i32
      %dma_wait3A_124 = arith.constant 0 : i32
      %dma_wait3A_125 = tpu.memref_slice %arg9[%dma_wait3A_118, %dma_wait3A_122, %dma_wait3A_123, %dma_wait3A_124] : memref<2x16x8x128xf32, #tpu.memory_space<vmem>> -> memref<1x16x8x128xf32, #tpu.memory_space<vmem>>
      %dma_wait3A_126 = tpu.memref_squeeze %dma_wait3A_125 : memref<1x16x8x128xf32, #tpu.memory_space<vmem>> -> memref<16x8x128xf32, #tpu.memory_space<vmem>>
      %dma_wait3A_127 = arith.constant 0 : i32
      %dma_wait3A_128 = arith.constant 0 : i32
      %dma_wait3A_129 = arith.constant 0 : i32
      %dma_wait3A_130 = tpu.memref_slice %arg6[%dma_wait3A_119, %dma_wait3A_120, %dma_wait3A_127, %dma_wait3A_128, %dma_wait3A_129] : memref<4x8x64x8x128xf32, #tpu.memory_space<hbm>> -> memref<1x1x16x8x128xf32, #tpu.memory_space<hbm>>
      %dma_wait3A_131 = tpu.memref_squeeze %dma_wait3A_130 : memref<1x1x16x8x128xf32, #tpu.memory_space<hbm>> -> memref<16x8x128xf32, #tpu.memory_space<hbm>>
      %dma_wait3A_132 = tpu.memref_slice %arg10[%dma_wait3A_121] : memref<2x!tpu.dma_semaphore, #tpu.memory_space<semaphore_mem>> -> memref<1x!tpu.dma_semaphore, #tpu.memory_space<semaphore_mem>>
      %dma_wait3A_133 = tpu.memref_squeeze %dma_wait3A_132 : memref<1x!tpu.dma_semaphore, #tpu.memory_space<semaphore_mem>> -> memref<!tpu.dma_semaphore, #tpu.memory_space<semaphore_mem>>
      %dma_wait3A_134 = arith.constant 0 : i32
      %dma_wait3A_135 = arith.constant 0 : i32
      %dma_wait3A_136 = arith.constant 0 : i32
      %dma_wait3A_137 = tpu.memref_slice %arg6[%dma_wait3A_119, %dma_wait3A_120, %dma_wait3A_134, %dma_wait3A_135, %dma_wait3A_136] : memref<4x8x64x8x128xf32, #tpu.memory_space<hbm>> -> memref<1x1x16x8x128xf32, #tpu.memory_space<hbm>>
      %dma_wait3A_138 = tpu.memref_squeeze %dma_wait3A_137 : memref<1x1x16x8x128xf32, #tpu.memory_space<hbm>> -> memref<16x8x128xf32, #tpu.memory_space<hbm>>
      %dma_wait3A_139 = arith.constant 0 : i32
      %dma_wait3A_140 = arith.constant 0 : i32
      %dma_wait3A_141 = arith.constant 0 : i32
      %dma_wait3A_142 = tpu.memref_slice %arg9[%dma_wait3A_118, %dma_wait3A_139, %dma_wait3A_140, %dma_wait3A_141] : memref<2x16x8x128xf32, #tpu.memory_space<vmem>> -> memref<1x16x8x128xf32, #tpu.memory_space<vmem>>
      %dma_wait3A_143 = tpu.memref_squeeze %dma_wait3A_142 : memref<1x16x8x128xf32, #tpu.memory_space<vmem>> -> memref<16x8x128xf32, #tpu.memory_space<vmem>>
      tpu.wait_dma2 semaphore(%dma_wait3A_133 : memref<!tpu.dma_semaphore, #tpu.memory_space<semaphore_mem>>) src(%dma_wait3A_143 : memref<16x8x128xf32, #tpu.memory_space<vmem>>) dst(%dma_wait3A_138 : memref<16x8x128xf32, #tpu.memory_space<hbm>>)
      %dma_wait3A_144 = arith.constant 1 : i32
      %dma_wait3A_145 = arith.constant 0 : i32
      %dma_wait3A_146 = arith.constant 0 : i32
      %dma_wait3A_147 = arith.constant 1 : i32
      %dma_wait3A_148 = arith.constant 0 : i32
      %dma_wait3A_149 = arith.constant 0 : i32
      %dma_wait3A_150 = arith.constant 0 : i32
      %dma_wait3A_151 = tpu.memref_slice %arg9[%dma_wait3A_144, %dma_wait3A_148, %dma_wait3A_149, %dma_wait3A_150] : memref<2x16x8x128xf32, #tpu.memory_space<vmem>> -> memref<1x16x8x128xf32, #tpu.memory_space<vmem>>
      %dma_wait3A_152 = tpu.memref_squeeze %dma_wait3A_151 : memref<1x16x8x128xf32, #tpu.memory_space<vmem>> -> memref<16x8x128xf32, #tpu.memory_space<vmem>>
      %dma_wait3A_153 = arith.constant 0 : i32
      %dma_wait3A_154 = arith.constant 0 : i32
      %dma_wait3A_155 = arith.constant 0 : i32
      %dma_wait3A_156 = tpu.memref_slice %arg6[%dma_wait3A_145, %dma_wait3A_146, %dma_wait3A_153, %dma_wait3A_154, %dma_wait3A_155] : memref<4x8x64x8x128xf32, #tpu.memory_space<hbm>> -> memref<1x1x16x8x128xf32, #tpu.memory_space<hbm>>
      %dma_wait3A_157 = tpu.memref_squeeze %dma_wait3A_156 : memref<1x1x16x8x128xf32, #tpu.memory_space<hbm>> -> memref<16x8x128xf32, #tpu.memory_space<hbm>>
      %dma_wait3A_158 = tpu.memref_slice %arg10[%dma_wait3A_147] : memref<2x!tpu.dma_semaphore, #tpu.memory_space<semaphore_mem>> -> memref<1x!tpu.dma_semaphore, #tpu.memory_space<semaphore_mem>>
      %dma_wait3A_159 = tpu.memref_squeeze %dma_wait3A_158 : memref<1x!tpu.dma_semaphore, #tpu.memory_space<semaphore_mem>> -> memref<!tpu.dma_semaphore, #tpu.memory_space<semaphore_mem>>
      %dma_wait3A_160 = arith.constant 0 : i32
      %dma_wait3A_161 = arith.constant 0 : i32
      %dma_wait3A_162 = arith.constant 0 : i32
      %dma_wait3A_163 = tpu.memref_slice %arg6[%dma_wait3A_145, %dma_wait3A_146, %dma_wait3A_160, %dma_wait3A_161, %dma_wait3A_162] : memref<4x8x64x8x128xf32, #tpu.memory_space<hbm>> -> memref<1x1x16x8x128xf32, #tpu.memory_space<hbm>>
      %dma_wait3A_164 = tpu.memref_squeeze %dma_wait3A_163 : memref<1x1x16x8x128xf32, #tpu.memory_space<hbm>> -> memref<16x8x128xf32, #tpu.memory_space<hbm>>
      %dma_wait3A_165 = arith.constant 0 : i32
      %dma_wait3A_166 = arith.constant 0 : i32
      %dma_wait3A_167 = arith.constant 0 : i32
      %dma_wait3A_168 = tpu.memref_slice %arg9[%dma_wait3A_144, %dma_wait3A_165, %dma_wait3A_166, %dma_wait3A_167] : memref<2x16x8x128xf32, #tpu.memory_space<vmem>> -> memref<1x16x8x128xf32, #tpu.memory_space<vmem>>
      %dma_wait3A_169 = tpu.memref_squeeze %dma_wait3A_168 : memref<1x16x8x128xf32, #tpu.memory_space<vmem>> -> memref<16x8x128xf32, #tpu.memory_space<vmem>>
      tpu.wait_dma2 semaphore(%dma_wait3A_159 : memref<!tpu.dma_semaphore, #tpu.memory_space<semaphore_mem>>) src(%dma_wait3A_169 : memref<16x8x128xf32, #tpu.memory_space<vmem>>) dst(%dma_wait3A_164 : memref<16x8x128xf32, #tpu.memory_space<hbm>>)
    } else {
    }
    return
  }
}

</mosaic_0001>

<sc_bundles>
// kernel: kernel.3.cloned.1.call-start
scs
__scs_entry_jumppad:
0x0: {  	(pc) =	sbr.rel $0x88, $3  }
0x1: {  	(tag) =	ssettag $0x0;
	lr =	simm.s32 $0x1  }
0x2: {  	[smem:$0x3F9E] =	sst lr;
	_ =	strace $0xD0000000  }
0x3: {  	_ = 	snop  }
0x4: {  	_ = 	snop  }
0x5: {  	_ = 	snop  }
0x6: {  	_ = 	snop  }
0x7: {  	_ = 	snop  }
__scs_overlays_trampoline_lowered:
0x8: {  	[smem:$0x3FAD] =	sst s0  }
0x9: {  	[smem:$0x3FAE] =	sst s1  }
0xa: {  	[smem:$0x3FAF] =	sst s2  }
0xb: {  	[smem:$0x3FB0] =	sst s3  }
0xc: {  	[smem:$0x3FB1] =	sst s4  }
0xd: {  	[smem:$0x3FB2] =	sst s5  }
0xe: {  	[smem:$0x3FB3] =	sst s6  }
0xf: {  	[smem:$0x3FB4] =	sst s7  }
0x10: {  	[smem:$0x3FB5] =	sst s8  }
0x11: {  	[smem:$0x3FB6] =	sst s9;
	s0 =	simm.s32 @!p0 $0x0  }
0x12: {  	s1 =	sld [smem:$0x3F9C];
	s0 =	simm.s32 @p0 $0x1  }
0x13: {  	[smem:$0x3FB7] =	sst s0;
	s0 =	simm.s32 @!p1 $0x0  }
0x14: {  	s2 =	sld [smem:$0x3F9B];
	s0 =	simm.s32 @p1 $0x1  }
0x15: {  	[smem:$0x3FB8] =	sst s0;
	s0 =	simm.s32 @!p2 $0x0  }
0x16: {  	s3 =	sld [smem:$0x3FDB];
	s0 =	simm.s32 @p2 $0x1  }
0x17: {  	s4 =	simm.s32 $0x1BF5;
	[smem:$0x3FBA] =	sst s0  }
0x18: {  	s0 =	sld [smem:$0x3F9D];
	_ =	swait.ge [sflag:s4], $0x0  }
0x19: {  	s7 =	sld [smem:$0x3F9E]  }
0x1a: {  	s8 =	sadd.s32 $0xFFFFE003, lr  }
0x1b: {  	s9 =	sadd.s32 $0xFFFFFEF7, lr;
	s5 =	simm.s32 $0xFFFFFFFF;
	p2 =	slt.u32 s8, $0xFFFFF086  }
0x1c: {  	p1 =	slt.u32 s9, $0xF7A;
	s5 =	simm.s32 @!p2 $0x0  }
0x1d: {  	s5 =	simm.s32 @p1 $0x1;
	p0 =	seq.s32 s7, s2  }
0x1e: {  	s7 =	smul.u32 @!p0 $0xF7A, s2;
	p2 =	seq.s32 @!p0 s5, $0x0  }
0x1f: {  	s9 =	smul.u32 $0xF7A, s1;
	s8 =	simm.s32 @!p0 $0x1BF5;
	p2 =	por !p2, p0  }
0x20: {  	[sflag:s8] =	ssyncset.s32 @!p0 $0xFFFFF086;
	s6 =	sadd.s32 @!p0 s3, s7;
	s7 =	simm.s32 @!p0 $0x108  }
0x21: {  	s3 =	sadd.s32 s3, s9;
	s6 =	sadd.s32 @!p0 $0x88, s6;
	s7 =	simm.s32 @p2 $0x1082  }
0x22: {  	[simem:s7], [sflag:s8] =	dma.local @!p0 [hbm:s6], $0xF7A  }
0x23: {  	s9 =	sor.u32 $0xD0000000, s2;
	s6 =	simm.s32 $0x108;
	_ =	swait.ge @!p0 [sflag:s8], $0x0  }
0x24: {  	s3 =	sadd.s32 $0x88, s3;
	s6 =	simm.s32 @!p1 $0x1082;
	[sflag:s4] =	ssyncset.s32 $0xFFFFF086  }
0x25: {  	[simem:s6], [sflag:s4] =	dma.local [hbm:s3], $0xF7A  }
0x26: {  	[smem:$0x3F9E] =	sst s1;
	(tag) =	ssettag s2;
	_ =	strace s9  }
0x27: {  	s1 =	sld [smem:$0x3FAE]  }
0x28: {  	s2 =	sld [smem:$0x3FAF]  }
0x29: {  	s4 =	sld [smem:$0x3FB1]  }
0x2a: {  	p0 =	seq.s32 s5, $0x0;
	s5 =	sld [smem:$0x3FB2]  }
0x2b: {  	s6 =	sld [smem:$0x3FB3]  }
0x2c: {  	s7 =	sld [smem:$0x3FB4]  }
0x2d: {  	s3 =	simm.s32 $0x108;
	s8 =	sld [smem:$0x3FB5]  }
0x2e: {  	s3 =	simm.s32 @!p0 $0x1082;
	s9 =	sld [smem:$0x3FB6]  }
0x2f: {  	lr =	sadd.s32 s0, s3;
	s0 =	sld [smem:$0x3FAD]  }
0x30: {  	s3 =	sld [smem:$0x3FB0]  }
0x31: {  	[smem:$0x3FB9] =	sst s10  }
0x32: {  	s10 =	sld [smem:$0x3FB7];
	_ =	sdelay $0x3  }
0x33: {  	p0 =	seq.s32 s10, $0x1;
	s10 =	sld [smem:$0x3FB9];
	_ =	sdelay $0x3  }
0x34: {  	[smem:$0x3FB9] =	sst s10  }
0x35: {  	s10 =	sld [smem:$0x3FB8];
	_ =	sdelay $0x3  }
0x36: {  	p1 =	seq.s32 s10, $0x1;
	s10 =	sld [smem:$0x3FB9];
	_ =	sdelay $0x3  }
0x37: {  	[smem:$0x3FB9] =	sst s10  }
0x38: {  	s10 =	sld [smem:$0x3FBA]  }
0x39: {  	_ = 	snop;
	(pc) =	sbr.ind lr, $3  }
0x3a: {  	_ = 	snop  }
0x3b: {  	_ = 	snop  }
0x3c: {  	p2 =	seq.s32 s10, $0x1;
	s10 =	sld [smem:$0x3FB9]  }
0x3d: {  	_ =	shalt  }
0x3e: {  	_ =	shalt  }
0x3f: {  	_ =	shalt  }
0x40: {  	_ =	shalt  }
0x41: {  	_ =	shalt  }
0x42: {  	_ =	shalt  }
0x43: {  	_ =	shalt  }
0x44: {  	_ =	shalt  }
0x45: {  	_ =	shalt  }
0x46: {  	_ =	shalt  }
0x47: {  	_ =	shalt  }
0x48: {  	_ =	shalt  }
0x49: {  	_ =	shalt  }
0x4a: {  	_ =	shalt  }
0x4b: {  	_ =	shalt  }
0x4c: {  	_ =	shalt  }
0x4d: {  	_ =	shalt  }
0x4e: {  	_ =	shalt  }
0x4f: {  	_ =	shalt  }
0x50: {  	_ =	shalt  }
0x51: {  	_ =	shalt  }
0x52: {  	_ =	shalt  }
0x53: {  	_ =	shalt  }
0x54: {  	_ =	shalt  }
0x55: {  	_ =	shalt  }
0x56: {  	_ =	shalt  }
0x57: {  	_ =	shalt  }
0x58: {  	_ =	shalt  }
0x59: {  	_ =	shalt  }
0x5a: {  	_ =	shalt  }
0x5b: {  	_ =	shalt  }
0x5c: {  	_ =	shalt  }
0x5d: {  	_ =	shalt  }
0x5e: {  	_ =	shalt  }
0x5f: {  	_ =	shalt  }
0x60: {  	_ =	shalt  }
0x61: {  	_ =	shalt  }
0x62: {  	_ =	shalt  }
0x63: {  	_ =	shalt  }
0x64: {  	_ =	shalt  }
0x65: {  	_ =	shalt  }
0x66: {  	_ =	shalt  }
0x67: {  	_ =	shalt  }
0x68: {  	_ =	shalt  }
0x69: {  	_ =	shalt  }
0x6a: {  	_ =	shalt  }
0x6b: {  	_ =	shalt  }
0x6c: {  	_ =	shalt  }
0x6d: {  	_ =	shalt  }
0x6e: {  	_ =	shalt  }
0x6f: {  	_ =	shalt  }
0x70: {  	_ =	shalt  }
0x71: {  	_ =	shalt  }
0x72: {  	_ =	shalt  }
0x73: {  	_ =	shalt  }
0x74: {  	_ =	shalt  }
0x75: {  	_ =	shalt  }
0x76: {  	_ =	shalt  }
0x77: {  	_ =	shalt  }
0x78: {  	_ =	shalt  }
0x79: {  	_ =	shalt  }
0x7a: {  	_ =	shalt  }
0x7b: {  	_ =	shalt  }
0x7c: {  	_ =	shalt  }
0x7d: {  	_ =	shalt  }
0x7e: {  	_ =	shalt  }
0x7f: {  	_ =	shalt  }
0x80: {  	_ =	shalt  }
0x81: {  	_ =	shalt  }
0x82: {  	_ =	shalt  }
0x83: {  	_ =	shalt  }
0x84: {  	_ =	shalt  }
0x85: {  	_ =	shalt  }
0x86: {  	_ =	shalt  }
0x87: {  	_ =	shalt  }
.Lfunc_end0:
.L_simem_size_0:
called_computation_lowered:
.L_overlay_start_0:
0x88: {  	s2 =	sld [smem:$0x3FD9]  }
0x89: {  	s3 =	sld [smem:$0x3FFE];
	_ =	sdelay $0x1  }
0x8a: {  	s1 =	srdreg.scid  }
0x8b: {  	s0 =	sand.u32 $0x1, s1  }
0x8c: {  	s14 =	sshll.u32 s0, $0xA;
	s2 =	sadd.s32 s3, s2  }
0x8d: {  	s2 =	sadd.s32 s2, s14  }
0x8e: {  	[smem:$0x3FC5] =	sst s2  }
0x8f: {  	_ = 	snop  }
0x90: {  	s2 =	sld [smem:$0x3FD0];
	_ =	sdelay $0x1  }
0x91: {  	s15 =	sld [smem:$0x3FC8]  }
0x92: {  	s5 =	simm.s32 $0xA;
	s6 =	simm.s32 $0x10;
	s4 =	sld [smem:$0x3FC7]  }
0x93: {  	[smem:s6], [sflag:s5] =	dma.local [hbm:s2], $0x1  }
0x94: {  	_ =	swait.eq [sflag:s5], $0x1  }
0x95: {  	[sflag:s5] =	ssyncset.done $0x0  }
0x96: {  	s16 =	sld [smem:$0x10];
	[sflag:s5] =	ssyncadd.s32 $0xFFFFFFFF  }
0x97: {  	s17 =	sld [smem:$0x11];
	(tm) =	ssettm $0x1  }
0x98: {  	s18 =	sld [smem:$0x3FFB];
	_ =	sdelay $0x3  }
0x99: {  	_ =	strace s18  }
0x9a: {  	s6 =	sld [smem:$0x3FFC];
	_ =	sdelay $0x3  }
0x9b: {  	_ =	strace s6  }
0x9c: {  	s6 =	sld [smem:$0x3FFD];
	_ =	sdelay $0x3  }
0x9d: {  	_ =	strace s6  }
0x9e: {  	_ =	strace $0x8FFFFFFF  }
0x9f: {  	s19 =	sld [smem:$0x3FDB];
	_ =	sdelay $0x1  }
0xa0: {  	s7 =	simm.s32 $_scs_section_size  }
0xa1: {  	s8 =	simm.s32 $_size__tile_overlayer_lowered;
	s9 =	simm.s32 $_tile_overlayer_lowered  }
0xa2: {  	s22 =	simm.s32 $0x1BFF;
	s21 =	sshll.u32 s9, $0x1;
	s6 =	sadd.s32 s7, s19  }
0xa3: {  	s10 =	simm.s32 $0x0;
	s20 =	sshll.u32 s8, $0x1;
	s8 =	sadd.s32 s21, s6  }
0xa4: {  	[timem:s10], [sflag:s22] =	dma.local [hbm:s8], s20  }
0xa5: {  	_ =	swait.ge [sflag:s22], s20  }
0xa6: {  	s7 =	ssub.s32 $0x0, s20;
	[sflag:s22] =	ssyncset.done $0x0  }
0xa7: {  	[sflag:s22] =	ssyncadd.s32 s7;
	_ =	sdelay $0x1  }
0xa8: {  	s23 =	simm.s32 $0x1B8B  }
0xa9: {  	_ =	swait.ge [sflag:s23], $0x1  }
0xaa: {  	[sflag:s23] =	ssyncset.done $0x0  }
0xab: {  	s25 =	simm.s32 $0x1B8E;
	s24 =	sld [smem:$0x3FFE];
	[sflag:s23] =	ssyncadd.s32 $0xFFFFFFFF  }
0xac: {  	s26 =	simm.s32 $execute0_lowered;
	[smem:$0x3FD2] =	sst s25  }
0xad: {  	s8 =	sshll.u32 s26, $0x1;
	_ =	strace $0x80000046;
	[dreg:$0x1] =	wrdreg $0xFFFFFFFF  }
0xae: {  	s28 =	simm.s32 $_size_execute0_lowered;
	s6 =	sadd.s32 s6, s8;
	[dreg:$0x0] =	wrdreg $0x0  }
0xaf: {  	s8 =	sshll.u32 s28, $0x1;
	[dreg:$0x2] =	wrdreg s6  }
0xb0: {  	[dreg:$0x3] =	wrdreg s8  }
0xb1: {  	[dreg:$0x4] =	wrdreg $0xC0  }
0xb2: {  	_ =	task [dreg:s10], $0x5FFFF  }
0xb3: {  	[dreg:$0x1] =	wrdreg $0xFFFFFFFF  }
0xb4: {  	[dreg:$0x0] =	wrdreg $0x60  }
0xb5: {  	[dreg:$0x2] =	wrdreg s24  }
0xb6: {  	[dreg:$0x3] =	wrdreg s15  }
0xb7: {  	[dreg:$0x4] =	wrdreg s4  }
0xb8: {  	[dreg:$0x5] =	wrdreg s16  }
0xb9: {  	[dreg:$0x6] =	wrdreg s17  }
0xba: {  	[dreg:$0x7] =	wrdreg $0x9  }
0xbb: {  	_ =	task.clear_ibuf [dreg:s10], $0x8FFFF;
	_ =	strace $0x90000046  }
0xbc: {  	s29 =	simm.s32 $0x9;
	_ =	strace $0x80000048  }
0xbd: {  	_ =	swait.ge [sflag:s29], $0x1  }
0xbe: {  	[sflag:s29] =	ssyncadd.s32 $0xFFFFFFFF  }
0xbf: {  	_ =	strace $0x90000048  }
0xc0: {  	_ =	sfence  }
0xc1: {  	s30 =	sld [smem:$0x0];
	_ =	sdelay $0x2  }
0xc2: {  	s31 =	sshll.u32 s1, $0xD;
	s1 =	sshrl.u32 s1, $0x2  }
0xc3: {  	s3 =	sand.u32 $0x4000, s31;
	s1 =	sadd.s32 s1, s30  }
0xc4: {  	s0 =	sor.u32 s3, s0;
	s1 =	sshll.u32 s1, $0x11  }
0xc5: {  	s0 =	sor.u32 s1, s0  }
0xc6: {  	s0 =	sadd.s32 $0x8F2B, s0  }
0xc7: {  	[sflag:s0] =	ssyncadd.remote.s32 $0x1  }
0xc8: {  	_ =	sfence.sel $0xFFFF  }
0xc9: {  	[dreg:$0x0] =	wrdreg $0xFFFFFFFF;
	(pc) =	sbr.abs _section_cstart, $3  }
0xca: {  	[dreg:$0x1] =	wrdreg $0xFFFFFFFF  }
0xcb: {  	_ =	task.clear_ibuf [dreg:s10], $0x2FFFF;
	_ =	strace $0x9FFFFFFF  }
0xcc: {  	(tm) =	ssettm $0x7FFFFFFF  }
0xcd: {  	_ =	shalt  }
tec
execute0_lowered:
.L_overlay_start_1:
0x0: {  	(tag) =	ssettag $0x1  }
0x1: {  	s0 =	srdreg.scid  }
0x2: {  	s3 =	stileid.u32;
	s0 =	sand.u32 $0x1, s0  }
0x3: {  	s26 =	rddreg [dreg:$0x0];
	s1 =	sor.u32 s0, s3  }
0x4: {  	s7 =	rddreg [dreg:$0x1];
	p1 =	seq.s32 s0, $0x1;
	p0 =	seq.s32 s1, $0x0  }
0x5: {  	s4 =	rddreg [dreg:$0x2];
	p0 =	por !p0, !p1  }
0x6: {  	s2 =	simm.s32 $0x1;
	s6 =	rddreg [dreg:$0x3];
	p0 =	por !p0, !p0  }
0x7: {  	s8 =	rddreg [dreg:$0x4];
	s2 =	simm.s32 @!p0 $0x0  }
0x8: {  	s9 =	sshll.u32 s0, $0xB;
	s28 =	ssub.s32 $0x2, s0;
	s3 =	ssub.s32 s3, s2  }
0x9: {  	s0 =	sshll.u32 s0, $0x11;
	s11 =	sshrl.u32 s28, $0x1;
	s5 =	sand.u32 $0xE0, s3  }
0xa: {  	s1 =	sadd.s32 s9, s26;
	s9 =	ssub.s32 s28, s11;
	s5 =	sshrl.u32 s5, $0x5  }
0xb: {  	s11 =	simm.s32 $0x1;
	s1 =	sadd.s32 $0x800, s1;
	s5 =	sadd.s32 s5, s3  }
0xc: {  	s9 =	smax.u32 s9, $0x1;
	s2 =	simm.s32 $0x0;
	s10 =	sand.u32 $0xFFFFFFF8, s5  }
0xd: {  	[smem:$0x7FF] =	sst s2;
	p5 =	slt.s32 s3, $0x1;
	s10 =	ssub.s32 s3, s10  }
0xe: {  	_ =	strace $0x80000047;
	[dreg:$0x7] =	wrdreg s1;
	p6 =	sne.s32 s10, $0x0  }
0xf: {  	s5 =	sshra.s32 s5, $0x3;
	s10 =	sshll.u32 s10, $0xD;
	p0 =	por !p5, !p6  }
0x10: {  	s3 =	simm.s32 $0x1;
	s10 =	sand.u32 $0xE000, s10;
	p0 =	por !p0, !p0  }
.Ltmp0:
0x11: {  	s4 =	sadd.s32 s4, s10;
	s29 =	sadd.s32 s10, s8;
	(pc) =	sbr.rel .LBB2_1-.Ltmp0, $4  }
0x12: {  	s30 =	sadd.s32 s10, s6;
	s31 =	sadd.s32 s7, s10;
	[dreg:$0x6] =	wrdreg s4  }
0x13: {  	s11 =	simm.s32 @!p0 $0x0;
	s6 =	sadd.s32 s29, s0;
	[dreg:$0x8] =	wrdreg s31  }
0x14: {  	s8 =	sadd.s32 s30, s0;
	s12 =	ssub.s32 s5, s11;
	s11 =	simm.s32 $0x2  }
0x15: {  	p0 =	seq.s32 s12, $0x1;
	p1 =	sne.s32 s12, $0x0;
	s12 =	simm.s32 $0x0  }
.LBB2_11:
0x16: {  	_ =	swait.ge [sflag:s3], $0x4000  }
0x17: {  	[sflag:s3] =	ssyncset.done $0x0  }
0x18: {  	[sflag:s3] =	ssyncadd.s32 $0xFFFFC000  }
0x19: {  	_ =	swait.ge [sflag:s11], $0x4000  }
0x1a: {  	[sflag:s11] =	ssyncset.done $0x0  }
0x1b: {  	[sflag:s11] =	ssyncadd.s32 $0xFFFFC000  }
.LBB2_12:
0x1c: {  	s12 =	sadd.s32 $0x1, s12  }
0x1d: {  	p2 =	sne.s32 s12, s9  }
.Ltmp1:
0x1e: {  	_ = 	snop;
	(pc) =	sbr.rel @!p2 .LBB2_13-.Ltmp1, $1  }
0x1f: {  	_ =	sdelay $0x3  }
.LBB2_1:
.Ltmp2:
0x20: {  	(pc) =	sbr.rel @p0 .LBB2_7-.Ltmp2, $1  }
0x21: {  	_ =	sdelay $0x3  }
.Ltmp3:
0x22: {  	(pc) =	sbr.rel @p1 .LBB2_12-.Ltmp3, $1  }
0x23: {  	_ =	sdelay $0x3  }
0x24: {  	s13 =	simm.s32 $0x0;
	s0 =	rddreg [dreg:$0x8]  }
0x25: {  	[tilespmem:s13], [sflag:$0x1] =	stream.linear.gather [hbm4b:s0+s13], $0x10000, $0x38;
	[tilespmem:$0x1C000] =	vst v63  }
0x26: {  	s31 =	rddreg [dreg:$0x7];
	s1 =	simm.s32 $0x10000  }
0x27: {  	[tilespmem:s1], [sflag:$0x2] =	stream.linear.gather [hbm4b:s31+s13], $0x4000, $0x38;
	[tilespmem:$0x1C000] =	vst v63  }
0x28: {  	_ =	swait.ge [sflag:s11], $0x4000  }
0x29: {  	[sflag:s11] =	ssyncset.done $0x0  }
0x2a: {  	[sflag:s11] =	ssyncadd.s32 $0xFFFFC000  }
0x2b: {  	_ =	swait.ge [sflag:s3], $0x10000  }
0x2c: {  	[sflag:s3] =	ssyncset.done $0x0  }
0x2d: {  	s14 =	simm.s32 $0x0;
	[sflag:s3] =	ssyncadd.s32 $0xFFFF0000  }
.LBB2_4:
0x2e: {  	s16 =	sshrl.u32 s14, $0x2;
	s15 =	sand.u32 $0x3, s14  }
0x2f: {  	s0 =	sshll.u32 s16, $0x6;
	s1 =	sshll.u32 s15, $0x4  }
0x30: {  	s20 =	sor.u32 s1, s0  }
0x31: {  	s17 =	sand.u32 $0x1, s14;
	p2 =	slt.u32 s14, $0x2;
	s0 =	sadd.s32 $0x0, s20  }
0x32: {  	s1 =	sadd.s32 @!p2 $0x1, s17;
	s0 =	sshll.u32 s0, $0x7  }
0x33: {  	s19 =	sand.u32 $0x40, s13;
	_ =	swait.ge @!p2 [sflag:s1], $0x4000;
	s0 =	sand.u32 $0x3FFFFF80, s0  }
0x34: {  	s21 =	sor.u32 $0x30, s19;
	[sflag:s1] =	ssyncset.done @!p2 $0x0;
	s0 =	sadd.s32 $0x10000, s0  }
0x35: {  	[sflag:s1] =	ssyncadd.s32 @!p2 $0xFFFFC000;
	s24 =	sor.u32 s21, s0  }
0x36: {  	v0 =	vld [tilespmem:s24+$0x0];
	_ =	sdelay $0x1  }
0x37: {  	s25 =	sor.u32 $0x10, s19;
	s18 =	sor.u32 s19, s0  }
0x38: {  	s22 =	sor.u32 s25, s0;
	v2 =	vld [tilespmem:s18+$0x0]  }
0x39: {  	v3 =	vld [tilespmem:s22+$0x0]  }
0x3a: {  	s24 =	sor.u32 $0x20, s19;
	v1 =	vshll.u32 v0, $0x3  }
0x3b: {  	s0 =	sor.u32 s24, s0;
	v0 =	vand.u32 $0x7F, v0;
	v1 =	vand.u32 $0xFFFFFC00, v1  }
0x3c: {  	v1 =	vor.u32 v0, v1;
	v0 =	vld [tilespmem:s0+$0x0]  }
0x3d: {  	v4 =	vshll.u32 v2, $0x3  }
0x3e: {  	v5 =	vshll.u32 v3, $0x3;
	v2 =	vand.u32 $0x7F, v2;
	v4 =	vand.u32 $0xFFFFFC00, v4  }
0x3f: {  	v6 =	vand.u32 $0x7F, v3;
	v5 =	vand.u32 $0xFFFFFC00, v5;
	v3 =	vor.u32 v2, v4  }
0x40: {  	v2 =	vor.u32 v6, v5  }
0x41: {  	v4 =	vld.idx.msk [tilespmem:v1+s2+$0x0], $0xffff;
	v5 =	vshll.u32 v0, $0x3  }
0x42: {  	s31 =	simm.s32 $0x0;
	s26 =	sshll.u32 s17, $0xE;
	v6 =	vor.u32 $0x80, v1;
	v0 =	vand.u32 $0x7F, v0;
	v5 =	vand.u32 $0xFFFFFC00, v5  }
0x43: {  	s4 =	sand.u32 $0x3FFFFC00, s31;
	s18 =	sadd.s32 $0x14000, s26;
	v7 =	vor.u32 v0, v5  }
0x44: {  	s0 =	sadd.s32 s4, s18;
	v0 =	vld.idx.msk [tilespmem:v3+s2+$0x0], $0xffff  }
0x45: {  	s23 =	sadd.s32 s21, s0;
	v8 =	vld.idx.msk [tilespmem:v2+s2+$0x0], $0xffff;
	v5 =	vor.u32 $0x80, v3  }
0x46: {  	[tilespmem:s23+$0x0] =	vst v4;
	v4 =	vor.u32 $0x80, v2  }
0x47: {  	v6 =	vld.idx.msk [tilespmem:v6+s2+$0x0], $0xffff  }
0x48: {  	v9 =	vor.u32 $0x100, v1;
	s22 =	sadd.s32 s19, s0;
	v10 =	vld.idx.msk [tilespmem:v7+s2+$0x0], $0xffff  }
0x49: {  	s19 =	sadd.s32 s25, s0;
	v11 =	vor.u32 $0x80, v7;
	[tilespmem:s22+$0x0] =	vst v0  }
0x4a: {  	[tilespmem:s19+$0x0] =	vst v8;
	v0 =	vld.idx.msk [tilespmem:v5+s2+$0x0], $0xffff  }
0x4b: {  	v5 =	vor.u32 $0x100, v3;
	v4 =	vld.idx.msk [tilespmem:v4+s2+$0x0], $0xffff  }
0x4c: {  	s21 =	sadd.s32 s24, s0;
	[tilespmem:s23+$0x80] =	vst v6;
	v6 =	vor.u32 $0x100, v2  }
0x4d: {  	s5 =	sadd.s32 $0x0, s20;
	v8 =	vld.idx.msk [tilespmem:v9+s2+$0x0], $0xffff;
	[tilespmem:s21+$0x0] =	vst v10  }
0x4e: {  	s7 =	sshll.u32 s5, $0x7;
	s24 =	simm.s32 $0x40;
	v9 =	vor.u32 $0x180, v1;
	v10 =	vld.idx.msk [tilespmem:v11+s2+$0x0], $0xffff  }
0x4f: {  	s1 =	sand.u32 $0x3FFFFF80, s7;
	s10 =	sand.u32 $0x40, s24;
	[tilespmem:s22+$0x80] =	vst v0  }
0x50: {  	s28 =	sadd.s32 $0x10000, s1;
	s26 =	sor.u32 $0x30, s10;
	v11 =	vor.u32 $0x100, v7;
	v0 =	vld.idx.msk [tilespmem:v5+s2+$0x0], $0xffff;
	[tilespmem:s19+$0x80] =	vst v4  }
0x51: {  	s1 =	sor.u32 s26, s28;
	v4 =	vld.idx.msk [tilespmem:v6+s2+$0x0], $0xffff  }
0x52: {  	s25 =	sor.u32 $0x10, s10;
	[tilespmem:s23+$0x100] =	vst v8;
	v8 =	vld [tilespmem:s1+$0x0]  }
0x53: {  	s30 =	sor.u32 s25, s28;
	v5 =	vld.idx.msk [tilespmem:v9+s2+$0x0], $0xffff;
	[tilespmem:s21+$0x80] =	vst v10;
	v10 =	vor.u32 $0x180, v3  }
0x54: {  	v12 =	vor.u32 $0x180, v2;
	v13 =	vld [tilespmem:s30+$0x0]  }
0x55: {  	s29 =	sor.u32 s10, s28;
	s31 =	sor.u32 $0x20, s10;
	v6 =	vor.u32 $0x200, v1;
	v9 =	vld.idx.msk [tilespmem:v11+s2+$0x0], $0xffff  }
0x56: {  	s28 =	sor.u32 s31, s28;
	v11 =	vld [tilespmem:s29+$0x0];
	[tilespmem:s22+$0x100] =	vst v0  }
0x57: {  	v14 =	vld [tilespmem:s28+$0x0];
	[tilespmem:s19+$0x100] =	vst v4;
	v15 =	vshll.u32 v8, $0x3  }
0x58: {  	v8 =	vand.u32 $0x7F, v8;
	[tilespmem:s23+$0x180] =	vst v5;
	v5 =	vor.u32 $0x180, v7;
	v0 =	vand.u32 $0xFFFFFC00, v15;
	v4 =	vld.idx.msk [tilespmem:v10+s2+$0x0], $0xffff  }
0x59: {  	v10 =	vld.idx.msk [tilespmem:v12+s2+$0x0], $0xffff;
	v0 =	vor.u32 v8, v0  }
0x5a: {  	v6 =	vld.idx.msk [tilespmem:v6+s2+$0x0], $0xffff;
	v8 =	vor.u32 $0x200, v2  }
0x5b: {  	v16 =	vor.u32 $0x200, v3;
	v15 =	vor.u32 $0x280, v1;
	v12 =	vshll.u32 v11, $0x3  }
0x5c: {  	v17 =	vshll.u32 v13, $0x3;
	[tilespmem:s21+$0x100] =	vst v9;
	v11 =	vand.u32 $0x7F, v11;
	v9 =	vand.u32 $0xFFFFFC00, v12  }
0x5d: {  	v13 =	vand.u32 $0x7F, v13;
	v12 =	vand.u32 $0xFFFFFC00, v17;
	v25 =	vor.u32 v11, v9;
	v5 =	vld.idx.msk [tilespmem:v5+s2+$0x0], $0xffff;
	[tilespmem:s22+$0x180] =	vst v4  }
0x5e: {  	v17 =	vshll.u32 v14, $0x3;
	v13 =	vor.u32 v13, v12;
	[tilespmem:s19+$0x180] =	vst v10;
	v4 =	vld.idx.msk [tilespmem:v0+s2+$0x0], $0xffff  }
0x5f: {  	v9 =	vand.u32 $0x7F, v14;
	v12 =	vor.u32 $0x200, v7;
	[tilespmem:s23+$0x200] =	vst v6;
	v6 =	vand.u32 $0xFFFFFC00, v17;
	v8 =	vld.idx.msk [tilespmem:v8+s2+$0x0], $0xffff  }
0x60: {  	s28 =	simm.s32 $0x200;
	v11 =	vld.idx.msk [tilespmem:v15+s2+$0x0], $0xffff;
	v26 =	vor.u32 v9, v6  }
0x61: {  	s28 =	sand.u32 $0x3FFFFC00, s28;
	v10 =	vor.u32 $0x80, v0;
	v6 =	vld.idx.msk [tilespmem:v16+s2+$0x0], $0xffff  }
0x62: {  	s28 =	sadd.s32 s28, s18;
	v9 =	vor.u32 $0x300, v1;
	v14 =	vld.idx.msk [tilespmem:v25+s2+$0x0], $0xffff  }
0x63: {  	s30 =	sadd.s32 s26, s28;
	v15 =	vor.u32 $0x280, v3;
	v16 =	vld.idx.msk [tilespmem:v13+s2+$0x0], $0xffff;
	[tilespmem:s21+$0x180] =	vst v5  }
0x64: {  	v17 =	vor.u32 $0x80, v25;
	[tilespmem:s30+$0x0] =	vst v4;
	v33 =	vld.idx.msk [tilespmem:v12+s2+$0x0], $0xffff  }
0x65: {  	v31 =	vor.u32 $0x280, v2;
	[tilespmem:s19+$0x200] =	vst v8;
	v18 =	vld.idx.msk [tilespmem:v26+s2+$0x0], $0xffff  }
0x66: {  	v32 =	vor.u32 $0x280, v7;
	v23 =	vor.u32 $0x100, v25;
	[tilespmem:s23+$0x280] =	vst v11;
	v11 =	vor.u32 $0x80, v13;
	v20 =	vld.idx.msk [tilespmem:v10+s2+$0x0], $0xffff  }
0x67: {  	s26 =	sadd.s32 s10, s28;
	v21 =	vor.u32 $0x300, v25;
	v19 =	vor.u32 $0x80, v26;
	v8 =	vor.u32 $0x380, v1;
	[tilespmem:s22+$0x200] =	vst v6;
	v9 =	vld.idx.msk [tilespmem:v9+s2+$0x0], $0xffff  }
0x68: {  	s25 =	sadd.s32 s25, s28;
	v4 =	vor.u32 $0x300, v7;
	v1 =	vor.u32 $0x380, v2;
	v12 =	vor.u32 $0x200, v25;
	[tilespmem:s26+$0x0] =	vst v14;
	v34 =	vld.idx.msk [tilespmem:v15+s2+$0x0], $0xffff  }
0x69: {  	v6 =	vor.u32 $0x300, v2;
	v2 =	vor.u32 $0x380, v7;
	v14 =	vor.u32 $0x100, v0;
	[tilespmem:s25+$0x0] =	vst v16;
	v35 =	vld.idx.msk [tilespmem:v17+s2+$0x0], $0xffff  }
0x6a: {  	s28 =	sadd.s32 s31, s28;
	v7 =	vor.u32 $0x280, v25;
	v15 =	vor.u32 $0x380, v25;
	v17 =	vor.u32 $0x180, v25;
	v25 =	vld.idx.msk [tilespmem:v31+s2+$0x0], $0xffff;
	[tilespmem:s21+$0x200] =	vst v33  }
0x6b: {  	v22 =	vor.u32 $0x100, v13;
	v24 =	vor.u32 $0x100, v26;
	v5 =	vor.u32 $0x300, v3;
	v28 =	vld.idx.msk [tilespmem:v11+s2+$0x0], $0xffff;
	[tilespmem:s28+$0x0] =	vst v18  }
0x6c: {  	v3 =	vor.u32 $0x380, v3;
	v10 =	vor.u32 $0x200, v26;
	v16 =	vor.u32 $0x180, v26;
	v29 =	vld.idx.msk [tilespmem:v19+s2+$0x0], $0xffff;
	[tilespmem:s23+$0x300] =	vst v9  }
0x6d: {  	v31 =	vor.u32 $0x180, v0;
	v18 =	vor.u32 $0x180, v13;
	v11 =	vor.u32 $0x200, v13;
	[tilespmem:s30+$0x80] =	vst v20;
	v27 =	vld.idx.msk [tilespmem:v8+s2+$0x0], $0xffff  }
0x6e: {  	v20 =	vor.u32 $0x300, v13;
	v9 =	vor.u32 $0x280, v13;
	v30 =	vld.idx.msk [tilespmem:v14+s2+$0x0], $0xffff;
	v19 =	vor.u32 $0x300, v26;
	[tilespmem:s22+$0x280] =	vst v34  }
0x6f: {  	s29 =	simm.s32 $0x4;
	v14 =	vor.u32 $0x380, v13;
	v13 =	vor.u32 $0x380, v26;
	v8 =	vor.u32 $0x280, v26;
	[tilespmem:s26+$0x80] =	vst v35;
	v26 =	vld.idx.msk [tilespmem:v32+s2+$0x0], $0xffff  }
.LBB2_5:
0x70: {  	s29 =	sadd.s32 $0x4, s29;
	v23 =	vld.idx.msk [tilespmem:v23+s2+$0x0], $0xffff;
	[tilespmem:s25+$0x80] =	vst v28  }
0x71: {  	s0 =	sshrl.u32 s29, $0x3;
	p2 =	slt.u32 s29, $0x7C;
	v22 =	vld.idx.msk [tilespmem:v22+s2+$0x0], $0xffff;
	[tilespmem:s28+$0x80] =	vst v29  }
0x72: {  	s0 =	sadd.s32 s20, s0;
	v24 =	vld.idx.msk [tilespmem:v24+s2+$0x0], $0xffff;
	[tilespmem:s23+$0x380] =	vst v27;
	s23 =	smov.u32 s30  }
0x73: {  	s24 =	sadd.s32 $0x40, s24;
	s0 =	sshll.u32 s0, $0x7;
	[tilespmem:s23+$0x100] =	vst v30;
	v27 =	vld.idx.msk [tilespmem:v5+s2+$0x0], $0xffff;
	v5 =	vmov v21  }
0x74: {  	s30 =	sand.u32 $0x40, s24;
	s0 =	sand.u32 $0x3FFFFF80, s0;
	v21 =	vld.idx.msk [tilespmem:v31+s2+$0x0], $0xffff;
	[tilespmem:s19+$0x280] =	vst v25  }
0x75: {  	s31 =	sor.u32 $0x30, s30;
	s10 =	sadd.s32 $0x10000, s0;
	s0 =	sor.u32 $0x10, s30;
	v25 =	vld.idx.msk [tilespmem:v6+s2+$0x0], $0xffff;
	[tilespmem:s21+$0x280] =	vst v26;
	v6 =	vmov v20  }
0x76: {  	s1 =	sor.u32 $0x20, s30;
	v20 =	vor.u32 $0x200, v0;
	s4 =	sor.u32 s30, s10;
	s7 =	sor.u32 s31, s10;
	[tilespmem:s26+$0x100] =	vst v23;
	v23 =	vld.idx.msk [tilespmem:v4+s2+$0x0], $0xffff;
	v4 =	vmov v19  }
0x77: {  	s5 =	sor.u32 s0, s10;
	s10 =	sor.u32 s1, s10;
	v19 =	vld [tilespmem:s7+$0x0];
	[tilespmem:s25+$0x100] =	vst v22  }
0x78: {  	v22 =	vld [tilespmem:s4+$0x0];
	[tilespmem:s28+$0x100] =	vst v24  }
0x79: {  	v24 =	vld [tilespmem:s5+$0x0];
	[tilespmem:s22+$0x300] =	vst v27  }
0x7a: {  	v26 =	vld [tilespmem:s10+$0x0];
	[tilespmem:s23+$0x180] =	vst v21  }
0x7b: {  	v20 =	vld.idx.msk [tilespmem:v20+s2+$0x0], $0xffff;
	[tilespmem:s19+$0x300] =	vst v25  }
0x7c: {  	v21 =	vshll.u32 v19, $0x3;
	v17 =	vld.idx.msk [tilespmem:v17+s2+$0x0], $0xffff;
	[tilespmem:s21+$0x300] =	vst v23  }
0x7d: {  	v19 =	vand.u32 $0x7F, v19;
	v23 =	vor.u32 $0x280, v0;
	v21 =	vand.u32 $0xFFFFFC00, v21;
	v18 =	vld.idx.msk [tilespmem:v18+s2+$0x0], $0xffff  }
0x7e: {  	v25 =	vshll.u32 v22, $0x3;
	v27 =	vshll.u32 v24, $0x3;
	v28 =	vor.u32 v19, v21;
	v16 =	vld.idx.msk [tilespmem:v16+s2+$0x0], $0xffff  }
0x7f: {  	v19 =	vand.u32 $0xFFFFFC00, v25;
	v21 =	vand.u32 $0xFFFFFC00, v27;
	v25 =	vshll.u32 v26, $0x3;
	v27 =	vld.idx.msk [tilespmem:v3+s2+$0x0], $0xffff;
	v3 =	vmovc v15  }
0x80: {  	v15 =	vand.u32 $0x7F, v22;
	v22 =	vand.u32 $0x7F, v24;
	v24 =	vand.u32 $0xFFFFFC00, v25;
	v25 =	vld.idx.msk [tilespmem:v1+s2+$0x0], $0xffff;
	v1 =	vmovc v14  }
0x81: {  	v14 =	vor.u32 v15, v19;
	v29 =	vor.u32 v22, v21;
	v15 =	vand.u32 $0x7F, v26;
	[tilespmem:s23+$0x200] =	vst v20;
	v19 =	vld.idx.msk [tilespmem:v2+s2+$0x0], $0xffff  }
0x82: {  	v26 =	vor.u32 $0x80, v14;
	v30 =	vor.u32 $0x80, v29;
	v31 =	vor.u32 v15, v24;
	v2 =	vmovc v13;
	[tilespmem:s26+$0x180] =	vst v17;
	v15 =	vld.idx.msk [tilespmem:v23+s2+$0x0], $0xffff  }
0x83: {  	v22 =	vor.u32 $0x100, v29;
	v23 =	vor.u32 $0x100, v14;
	v32 =	vor.u32 $0x80, v31;
	v33 =	vld.idx.msk [tilespmem:v28+s2+$0x0], $0xffff;
	[tilespmem:s25+$0x180] =	vst v18  }
0x84: {  	v35 =	vor.u32 $0x300, v0;
	v17 =	vor.u32 $0x180, v14;
	v24 =	vor.u32 $0x100, v31;
	v34 =	vld.idx.msk [tilespmem:v12+s2+$0x0], $0xffff;
	[tilespmem:s28+$0x180] =	vst v16  }
0x85: {  	s4 =	sshll.u32 s29, $0x7;
	v36 =	vor.u32 $0x80, v28;
	v18 =	vor.u32 $0x180, v29;
	v16 =	vor.u32 $0x180, v31;
	v37 =	vld.idx.msk [tilespmem:v11+s2+$0x0], $0xffff;
	[tilespmem:s22+$0x380] =	vst v27;
	s22 =	smov.u32 s26  }
0x86: {  	s4 =	sand.u32 $0x3FFFFC00, s4;
	v38 =	vor.u32 $0x200, v31;
	v12 =	vor.u32 $0x200, v14;
	v11 =	vor.u32 $0x200, v29;
	v27 =	vld.idx.msk [tilespmem:v14+s2+$0x0], $0xffff;
	[tilespmem:s19+$0x380] =	vst v25;
	s19 =	smov.u32 s25  }
0x87: {  	s4 =	sadd.s32 s4, s18;
	v40 =	vor.u32 $0x280, v29;
	v41 =	vor.u32 $0x280, v31;
	v25 =	vor.u32 $0x280, v14;
	v39 =	vld.idx.msk [tilespmem:v29+s2+$0x0], $0xffff;
	[tilespmem:s21+$0x380] =	vst v19;
	s21 =	smov.u32 s28  }
0x88: {  	v21 =	vor.u32 $0x300, v14;
	v20 =	vor.u32 $0x300, v29;
	s26 =	sadd.s32 s30, s4;
	s30 =	sadd.s32 s31, s4;
	s25 =	sadd.s32 s0, s4;
	v19 =	vor.u32 $0x300, v31;
	v42 =	vld.idx.msk [tilespmem:v31+s2+$0x0], $0xffff;
	[tilespmem:s23+$0x280] =	vst v15  }
0x89: {  	v13 =	vor.u32 $0x380, v31;
	s28 =	sadd.s32 s1, s4;
	v15 =	vor.u32 $0x380, v14;
	v14 =	vor.u32 $0x380, v29;
	[tilespmem:s30+$0x0] =	vst v33;
	v31 =	vld.idx.msk [tilespmem:v35+s2+$0x0], $0xffff  }
0x8a: {  	v33 =	vld.idx.msk [tilespmem:v36+s2+$0x0], $0xffff;
	[tilespmem:s22+$0x200] =	vst v34  }
0x8b: {  	v35 =	vor.u32 $0x380, v0;
	v0 =	vmov v28;
	[tilespmem:s19+$0x200] =	vst v37;
	v34 =	vld.idx.msk [tilespmem:v10+s2+$0x0], $0xffff;
	v10 =	vmov v38  }
0x8c: {  	v36 =	vor.u32 $0x100, v0;
	[tilespmem:s26+$0x0] =	vst v27;
	v37 =	vld.idx.msk [tilespmem:v7+s2+$0x0], $0xffff;
	v7 =	vmov v25  }
0x8d: {  	v26 =	vld.idx.msk [tilespmem:v26+s2+$0x0], $0xffff;
	[tilespmem:s25+$0x0] =	vst v39  }
0x8e: {  	v28 =	vld.idx.msk [tilespmem:v30+s2+$0x0], $0xffff;
	[tilespmem:s28+$0x0] =	vst v42  }
.Ltmp4:
0x8f: {  	v29 =	vld.idx.msk [tilespmem:v32+s2+$0x0], $0xffff;
	[tilespmem:s23+$0x300] =	vst v31;
	(pc) =	sbr.rel @p2 .LBB2_5-.Ltmp4, $4  }
0x90: {  	[tilespmem:s30+$0x80] =	vst v33;
	v27 =	vld.idx.msk [tilespmem:v35+s2+$0x0], $0xffff  }
0x91: {  	v30 =	vld.idx.msk [tilespmem:v36+s2+$0x0], $0xffff;
	[tilespmem:s21+$0x200] =	vst v34  }
0x92: {  	[tilespmem:s22+$0x280] =	vst v37;
	v25 =	vld.idx.msk [tilespmem:v9+s2+$0x0], $0xffff;
	v9 =	vmov v40  }
0x93: {  	v31 =	vor.u32 $0x180, v0;
	[tilespmem:s26+$0x80] =	vst v26;
	v26 =	vld.idx.msk [tilespmem:v8+s2+$0x0], $0xffff;
	v8 =	vmov v41  }
0x94: {  	_ =	sdelay $0x3  }
0x95: {  	v23 =	vld.idx.msk [tilespmem:v23+s2+$0x0], $0xffff;
	[tilespmem:s25+$0x80] =	vst v28  }
0x96: {  	[tilespmem:s28+$0x80] =	vst v29;
	v22 =	vld.idx.msk [tilespmem:v22+s2+$0x0], $0xffff  }
0x97: {  	v24 =	vld.idx.msk [tilespmem:v24+s2+$0x0], $0xffff;
	_ =	sdelay $0x1  }
0x98: {  	[tilespmem:s30+$0x100] =	vst v30  }
0x99: {  	v50 =	vld.idx.msk [tilespmem:v31+s2+$0x0], $0xffff;
	[tilespmem:s26+$0x100] =	vst v23  }
0x9a: {  	v51 =	vor.u32 $0x200, v0;
	[tilespmem:s25+$0x100] =	vst v22;
	v17 =	vld.idx.msk [tilespmem:v17+s2+$0x0], $0xffff  }
0x9b: {  	[tilespmem:s28+$0x100] =	vst v24;
	v18 =	vld.idx.msk [tilespmem:v18+s2+$0x0], $0xffff  }
0x9c: {  	v16 =	vld.idx.msk [tilespmem:v16+s2+$0x0], $0xffff  }
0x9d: {  	[tilespmem:s23+$0x380] =	vst v27  }
0x9e: {  	[tilespmem:s30+$0x180] =	vst v50  }
0x9f: {  	v52 =	vld.idx.msk [tilespmem:v51+s2+$0x0], $0xffff;
	[tilespmem:s26+$0x180] =	vst v17  }
0xa0: {  	v53 =	vor.u32 $0x280, v0;
	[tilespmem:s25+$0x180] =	vst v18;
	v12 =	vld.idx.msk [tilespmem:v12+s2+$0x0], $0xffff  }
0xa1: {  	[tilespmem:s28+$0x180] =	vst v16;
	v11 =	vld.idx.msk [tilespmem:v11+s2+$0x0], $0xffff  }
0xa2: {  	[tilespmem:s19+$0x280] =	vst v25;
	v10 =	vld.idx.msk [tilespmem:v10+s2+$0x0], $0xffff  }
0xa3: {  	v5 =	vld.idx.msk [tilespmem:v5+s2+$0x0], $0xffff;
	[tilespmem:s21+$0x280] =	vst v26  }
0xa4: {  	v6 =	vld.idx.msk [tilespmem:v6+s2+$0x0], $0xffff;
	[tilespmem:s30+$0x200] =	vst v52  }
0xa5: {  	v54 =	vld.idx.msk [tilespmem:v53+s2+$0x0], $0xffff;
	[tilespmem:s26+$0x200] =	vst v12  }
0xa6: {  	v55 =	vor.u32 $0x300, v0;
	[tilespmem:s25+$0x200] =	vst v11;
	v7 =	vld.idx.msk [tilespmem:v7+s2+$0x0], $0xffff  }
0xa7: {  	[tilespmem:s28+$0x200] =	vst v10;
	v9 =	vld.idx.msk [tilespmem:v9+s2+$0x0], $0xffff  }
0xa8: {  	[tilespmem:s22+$0x300] =	vst v5;
	v56 =	vld.idx.msk [tilespmem:v8+s2+$0x0], $0xffff  }
0xa9: {  	v4 =	vld.idx.msk [tilespmem:v4+s2+$0x0], $0xffff;
	[tilespmem:s19+$0x300] =	vst v6  }
0xaa: {  	v3 =	vld.idx.msk [tilespmem:v3+s2+$0x0], $0xffff;
	[tilespmem:s30+$0x280] =	vst v54  }
0xab: {  	v57 =	vld.idx.msk [tilespmem:v55+s2+$0x0], $0xffff;
	[tilespmem:s26+$0x280] =	vst v7  }
0xac: {  	v58 =	vor.u32 $0x380, v0;
	v7 =	vld.idx.msk [tilespmem:v21+s2+$0x0], $0xffff;
	[tilespmem:s25+$0x280] =	vst v9  }
0xad: {  	[tilespmem:s28+$0x280] =	vst v56;
	v59 =	vld.idx.msk [tilespmem:v20+s2+$0x0], $0xffff  }
0xae: {  	[tilespmem:s21+$0x300] =	vst v4;
	v60 =	vld.idx.msk [tilespmem:v19+s2+$0x0], $0xffff  }
0xaf: {  	v1 =	vld.idx.msk [tilespmem:v1+s2+$0x0], $0xffff;
	[tilespmem:s22+$0x380] =	vst v3  }
0xb0: {  	v2 =	vld.idx.msk [tilespmem:v2+s2+$0x0], $0xffff;
	[tilespmem:s30+$0x300] =	vst v57  }
0xb1: {  	v0 =	vld.idx.msk [tilespmem:v58+s2+$0x0], $0xffff;
	[tilespmem:s26+$0x300] =	vst v7  }
0xb2: {  	[tilespmem:s25+$0x300] =	vst v59;
	v61 =	vld.idx.msk [tilespmem:v15+s2+$0x0], $0xffff  }
0xb3: {  	[tilespmem:s28+$0x300] =	vst v60;
	v62 =	vld.idx.msk [tilespmem:v14+s2+$0x0], $0xffff  }
0xb4: {  	s14 =	sadd.s32 $0x1, s14;
	[tilespmem:s19+$0x380] =	vst v1;
	v63 =	vld.idx.msk [tilespmem:v13+s2+$0x0], $0xffff  }
0xb5: {  	p2 =	seq.s32 s14, $0x8;
	[tilespmem:s21+$0x380] =	vst v2  }
.Ltmp5:
0xb6: {  	[tilespmem:s30+$0x380] =	vst v0;
	(pc) =	sbr.rel @!p2 .LBB2_4-.Ltmp5, $4  }
.Ltmp6:
0xb7: {  	s0 =	sshll.u32 s16, $0x10;
	[tilespmem:s26+$0x380] =	vst v61;
	(pc) =	sbr.rel @p2 .LBB2_11-.Ltmp6, $4  }
0xb8: {  	s1 =	sshll.u32 s15, $0xB;
	s0 =	sadd.s32 s0, s8;
	[tilespmem:s25+$0x380] =	vst v62  }
0xb9: {  	s4 =	sadd.s32 $0x1, s17;
	s0 =	sadd.s32 s1, s0;
	[tilespmem:s28+$0x380] =	vst v63  }
0xba: {  	[hbm4b:s0+s2] =	stream.linear.scatter [tilespmem:s18], [sflag:s4], $0x4000, $0x38;
	[tilespmem:$0x1C000] =	vst v63  }
0xbb: {  	_ = 	snop  }
.LBB2_7:
0xbc: {  	s13 =	simm.s32 $0x0;
	s0 =	rddreg [dreg:$0x6]  }
0xbd: {  	[tilespmem:s13], [sflag:$0x1] =	stream.linear.gather [hbm4b:s0+s13], $0x10000, $0x38;
	[tilespmem:$0x1C000] =	vst v63  }
0xbe: {  	s31 =	rddreg [dreg:$0x7];
	s1 =	simm.s32 $0x10000  }
0xbf: {  	[tilespmem:s1], [sflag:$0x2] =	stream.linear.gather [hbm4b:s31+s13], $0x4000, $0x38;
	[tilespmem:$0x1C000] =	vst v63  }
0xc0: {  	_ =	swait.ge [sflag:s11], $0x4000  }
0xc1: {  	[sflag:s11] =	ssyncset.done $0x0  }
0xc2: {  	[sflag:s11] =	ssyncadd.s32 $0xFFFFC000  }
0xc3: {  	_ =	swait.ge [sflag:s3], $0x10000  }
0xc4: {  	[sflag:s3] =	ssyncset.done $0x0  }
0xc5: {  	s14 =	simm.s32 $0x0;
	[sflag:s3] =	ssyncadd.s32 $0xFFFF0000  }
.LBB2_8:
0xc6: {  	s16 =	sshrl.u32 s14, $0x2;
	s15 =	sand.u32 $0x3, s14  }
0xc7: {  	s0 =	sshll.u32 s16, $0x6;
	s1 =	sshll.u32 s15, $0x4  }
0xc8: {  	s20 =	sor.u32 s1, s0  }
0xc9: {  	s17 =	sand.u32 $0x1, s14;
	p2 =	slt.u32 s14, $0x2;
	s0 =	sadd.s32 $0x0, s20  }
0xca: {  	s1 =	sadd.s32 @!p2 $0x1, s17;
	s0 =	sshll.u32 s0, $0x7  }
0xcb: {  	s4 =	sand.u32 $0x40, s13;
	_ =	swait.ge @!p2 [sflag:s1], $0x4000;
	s0 =	sand.u32 $0x3FFFFF80, s0  }
0xcc: {  	s5 =	sor.u32 $0x30, s4;
	[sflag:s1] =	ssyncset.done @!p2 $0x0;
	s0 =	sadd.s32 $0x10000, s0  }
0xcd: {  	[sflag:s1] =	ssyncadd.s32 @!p2 $0xFFFFC000;
	s18 =	sor.u32 s5, s0  }
0xce: {  	v0 =	vld [tilespmem:s18+$0x0];
	_ =	sdelay $0x1  }
0xcf: {  	s19 =	sor.u32 $0x10, s4;
	s7 =	sor.u32 s4, s0  }
0xd0: {  	s10 =	sor.u32 s19, s0;
	v2 =	vld [tilespmem:s7+$0x0]  }
0xd1: {  	v3 =	vld [tilespmem:s10+$0x0]  }
0xd2: {  	s21 =	sor.u32 $0x20, s4;
	v1 =	vshll.u32 v0, $0x3  }
0xd3: {  	s0 =	sor.u32 s21, s0;
	v0 =	vand.u32 $0x7F, v0;
	v1 =	vand.u32 $0xFFFFFC00, v1  }
0xd4: {  	v1 =	vor.u32 v0, v1;
	v0 =	vld [tilespmem:s0+$0x0]  }
0xd5: {  	v4 =	vshll.u32 v2, $0x3  }
0xd6: {  	v5 =	vshll.u32 v3, $0x3;
	v2 =	vand.u32 $0x7F, v2;
	v4 =	vand.u32 $0xFFFFFC00, v4  }
0xd7: {  	v6 =	vand.u32 $0x7F, v3;
	v5 =	vand.u32 $0xFFFFFC00, v5;
	v3 =	vor.u32 v2, v4  }
0xd8: {  	v2 =	vor.u32 v6, v5  }
0xd9: {  	v4 =	vld.idx.msk [tilespmem:v1+s2+$0x0], $0xffff;
	v5 =	vshll.u32 v0, $0x3  }
0xda: {  	s23 =	simm.s32 $0x0;
	s22 =	sshll.u32 s17, $0xE;
	v6 =	vor.u32 $0x80, v1;
	v0 =	vand.u32 $0x7F, v0;
	v5 =	vand.u32 $0xFFFFFC00, v5  }
0xdb: {  	s24 =	sand.u32 $0x3FFFFC00, s23;
	s18 =	sadd.s32 $0x14000, s22;
	v7 =	vor.u32 v0, v5  }
0xdc: {  	s0 =	sadd.s32 s24, s18;
	v0 =	vld.idx.msk [tilespmem:v3+s2+$0x0], $0xffff  }
0xdd: {  	s23 =	sadd.s32 s5, s0;
	v8 =	vld.idx.msk [tilespmem:v2+s2+$0x0], $0xffff;
	v5 =	vor.u32 $0x80, v3  }
0xde: {  	[tilespmem:s23+$0x0] =	vst v4;
	v4 =	vor.u32 $0x80, v2  }
0xdf: {  	v6 =	vld.idx.msk [tilespmem:v6+s2+$0x0], $0xffff  }
0xe0: {  	v9 =	vor.u32 $0x100, v1;
	s22 =	sadd.s32 s4, s0;
	v10 =	vld.idx.msk [tilespmem:v7+s2+$0x0], $0xffff  }
0xe1: {  	s19 =	sadd.s32 s19, s0;
	v11 =	vor.u32 $0x80, v7;
	[tilespmem:s22+$0x0] =	vst v0  }
0xe2: {  	[tilespmem:s19+$0x0] =	vst v8;
	v0 =	vld.idx.msk [tilespmem:v5+s2+$0x0], $0xffff  }
0xe3: {  	v5 =	vor.u32 $0x100, v3;
	v4 =	vld.idx.msk [tilespmem:v4+s2+$0x0], $0xffff  }
0xe4: {  	s21 =	sadd.s32 s21, s0;
	[tilespmem:s23+$0x80] =	vst v6;
	v6 =	vor.u32 $0x100, v2  }
0xe5: {  	s25 =	sadd.s32 $0x0, s20;
	v8 =	vld.idx.msk [tilespmem:v9+s2+$0x0], $0xffff;
	[tilespmem:s21+$0x0] =	vst v10  }
0xe6: {  	s26 =	sshll.u32 s25, $0x7;
	s24 =	simm.s32 $0x40;
	v9 =	vor.u32 $0x180, v1;
	v10 =	vld.idx.msk [tilespmem:v11+s2+$0x0], $0xffff  }
0xe7: {  	s1 =	sand.u32 $0x3FFFFF80, s26;
	s0 =	sand.u32 $0x40, s24;
	[tilespmem:s22+$0x80] =	vst v0  }
0xe8: {  	s31 =	sadd.s32 $0x10000, s1;
	s26 =	sor.u32 $0x30, s0;
	v11 =	vor.u32 $0x100, v7;
	v0 =	vld.idx.msk [tilespmem:v5+s2+$0x0], $0xffff;
	[tilespmem:s19+$0x80] =	vst v4  }
0xe9: {  	s1 =	sor.u32 s26, s31;
	v4 =	vld.idx.msk [tilespmem:v6+s2+$0x0], $0xffff  }
0xea: {  	s25 =	sor.u32 $0x10, s0;
	[tilespmem:s23+$0x100] =	vst v8;
	v8 =	vld [tilespmem:s1+$0x0]  }
0xeb: {  	s10 =	sor.u32 s25, s31;
	v5 =	vld.idx.msk [tilespmem:v9+s2+$0x0], $0xffff;
	[tilespmem:s21+$0x80] =	vst v10;
	v10 =	vor.u32 $0x180, v3  }
0xec: {  	v12 =	vor.u32 $0x180, v2;
	v13 =	vld [tilespmem:s10+$0x0]  }
0xed: {  	s7 =	sor.u32 s0, s31;
	v6 =	vor.u32 $0x200, v1;
	s1 =	sor.u32 $0x20, s0;
	v9 =	vld.idx.msk [tilespmem:v11+s2+$0x0], $0xffff  }
0xee: {  	s4 =	sor.u32 s1, s31;
	v11 =	vld [tilespmem:s7+$0x0];
	[tilespmem:s22+$0x100] =	vst v0  }
0xef: {  	v14 =	vld [tilespmem:s4+$0x0];
	[tilespmem:s19+$0x100] =	vst v4;
	v15 =	vshll.u32 v8, $0x3  }
0xf0: {  	v8 =	vand.u32 $0x7F, v8;
	[tilespmem:s23+$0x180] =	vst v5;
	v5 =	vor.u32 $0x180, v7;
	v0 =	vand.u32 $0xFFFFFC00, v15;
	v4 =	vld.idx.msk [tilespmem:v10+s2+$0x0], $0xffff  }
0xf1: {  	v10 =	vld.idx.msk [tilespmem:v12+s2+$0x0], $0xffff;
	v0 =	vor.u32 v8, v0  }
0xf2: {  	v6 =	vld.idx.msk [tilespmem:v6+s2+$0x0], $0xffff;
	v8 =	vor.u32 $0x200, v2  }
0xf3: {  	v16 =	vor.u32 $0x200, v3;
	v15 =	vor.u32 $0x280, v1;
	v12 =	vshll.u32 v11, $0x3  }
0xf4: {  	v17 =	vshll.u32 v13, $0x3;
	[tilespmem:s21+$0x100] =	vst v9;
	v11 =	vand.u32 $0x7F, v11;
	v9 =	vand.u32 $0xFFFFFC00, v12  }
0xf5: {  	v13 =	vand.u32 $0x7F, v13;
	v12 =	vand.u32 $0xFFFFFC00, v17;
	v25 =	vor.u32 v11, v9;
	v5 =	vld.idx.msk [tilespmem:v5+s2+$0x0], $0xffff;
	[tilespmem:s22+$0x180] =	vst v4  }
0xf6: {  	v17 =	vshll.u32 v14, $0x3;
	v13 =	vor.u32 v13, v12;
	[tilespmem:s19+$0x180] =	vst v10;
	v4 =	vld.idx.msk [tilespmem:v0+s2+$0x0], $0xffff  }
0xf7: {  	v9 =	vand.u32 $0x7F, v14;
	v12 =	vor.u32 $0x200, v7;
	[tilespmem:s23+$0x200] =	vst v6;
	v6 =	vand.u32 $0xFFFFFC00, v17;
	v8 =	vld.idx.msk [tilespmem:v8+s2+$0x0], $0xffff  }
0xf8: {  	s31 =	simm.s32 $0x200;
	v11 =	vld.idx.msk [tilespmem:v15+s2+$0x0], $0xffff;
	v26 =	vor.u32 v9, v6  }
0xf9: {  	s4 =	sand.u32 $0x3FFFFC00, s31;
	v10 =	vor.u32 $0x80, v0;
	v6 =	vld.idx.msk [tilespmem:v16+s2+$0x0], $0xffff  }
0xfa: {  	s4 =	sadd.s32 s4, s18;
	v9 =	vor.u32 $0x300, v1;
	v14 =	vld.idx.msk [tilespmem:v25+s2+$0x0], $0xffff  }
0xfb: {  	s30 =	sadd.s32 s26, s4;
	v15 =	vor.u32 $0x280, v3;
	v16 =	vld.idx.msk [tilespmem:v13+s2+$0x0], $0xffff;
	[tilespmem:s21+$0x180] =	vst v5  }
0xfc: {  	v17 =	vor.u32 $0x80, v25;
	[tilespmem:s30+$0x0] =	vst v4;
	v33 =	vld.idx.msk [tilespmem:v12+s2+$0x0], $0xffff  }
0xfd: {  	v31 =	vor.u32 $0x280, v2;
	[tilespmem:s19+$0x200] =	vst v8;
	v18 =	vld.idx.msk [tilespmem:v26+s2+$0x0], $0xffff  }
0xfe: {  	v32 =	vor.u32 $0x280, v7;
	v23 =	vor.u32 $0x100, v25;
	[tilespmem:s23+$0x280] =	vst v11;
	v11 =	vor.u32 $0x80, v13;
	v20 =	vld.idx.msk [tilespmem:v10+s2+$0x0], $0xffff  }
0xff: {  	s26 =	sadd.s32 s0, s4;
	v21 =	vor.u32 $0x300, v25;
	v19 =	vor.u32 $0x80, v26;
	v8 =	vor.u32 $0x380, v1;
	[tilespmem:s22+$0x200] =	vst v6;
	v9 =	vld.idx.msk [tilespmem:v9+s2+$0x0], $0xffff  }
0x100: {  	s25 =	sadd.s32 s25, s4;
	v4 =	vor.u32 $0x300, v7;
	v1 =	vor.u32 $0x380, v2;
	v12 =	vor.u32 $0x200, v25;
	[tilespmem:s26+$0x0] =	vst v14;
	v34 =	vld.idx.msk [tilespmem:v15+s2+$0x0], $0xffff  }
0x101: {  	v6 =	vor.u32 $0x300, v2;
	v2 =	vor.u32 $0x380, v7;
	v14 =	vor.u32 $0x100, v0;
	[tilespmem:s25+$0x0] =	vst v16;
	v35 =	vld.idx.msk [tilespmem:v17+s2+$0x0], $0xffff  }
0x102: {  	s28 =	sadd.s32 s1, s4;
	v7 =	vor.u32 $0x280, v25;
	v15 =	vor.u32 $0x380, v25;
	v17 =	vor.u32 $0x180, v25;
	v25 =	vld.idx.msk [tilespmem:v31+s2+$0x0], $0xffff;
	[tilespmem:s21+$0x200] =	vst v33  }
0x103: {  	v22 =	vor.u32 $0x100, v13;
	v24 =	vor.u32 $0x100, v26;
	v5 =	vor.u32 $0x300, v3;
	v28 =	vld.idx.msk [tilespmem:v11+s2+$0x0], $0xffff;
	[tilespmem:s28+$0x0] =	vst v18  }
0x104: {  	v3 =	vor.u32 $0x380, v3;
	v10 =	vor.u32 $0x200, v26;
	v16 =	vor.u32 $0x180, v26;
	v29 =	vld.idx.msk [tilespmem:v19+s2+$0x0], $0xffff;
	[tilespmem:s23+$0x300] =	vst v9  }
0x105: {  	v31 =	vor.u32 $0x180, v0;
	v18 =	vor.u32 $0x180, v13;
	v11 =	vor.u32 $0x200, v13;
	[tilespmem:s30+$0x80] =	vst v20;
	v27 =	vld.idx.msk [tilespmem:v8+s2+$0x0], $0xffff  }
0x106: {  	v20 =	vor.u32 $0x300, v13;
	v9 =	vor.u32 $0x280, v13;
	v30 =	vld.idx.msk [tilespmem:v14+s2+$0x0], $0xffff;
	v19 =	vor.u32 $0x300, v26;
	[tilespmem:s22+$0x280] =	vst v34  }
0x107: {  	s29 =	simm.s32 $0x4;
	v14 =	vor.u32 $0x380, v13;
	v13 =	vor.u32 $0x380, v26;
	v8 =	vor.u32 $0x280, v26;
	[tilespmem:s26+$0x80] =	vst v35;
	v26 =	vld.idx.msk [tilespmem:v32+s2+$0x0], $0xffff  }
.LBB2_9:
0x108: {  	s29 =	sadd.s32 $0x4, s29;
	v23 =	vld.idx.msk [tilespmem:v23+s2+$0x0], $0xffff;
	[tilespmem:s25+$0x80] =	vst v28  }
0x109: {  	s0 =	sshrl.u32 s29, $0x3;
	p2 =	slt.u32 s29, $0x7C;
	v22 =	vld.idx.msk [tilespmem:v22+s2+$0x0], $0xffff;
	[tilespmem:s28+$0x80] =	vst v29  }
0x10a: {  	s0 =	sadd.s32 s20, s0;
	v24 =	vld.idx.msk [tilespmem:v24+s2+$0x0], $0xffff;
	[tilespmem:s23+$0x380] =	vst v27;
	s23 =	smov.u32 s30  }
0x10b: {  	s24 =	sadd.s32 $0x40, s24;
	s0 =	sshll.u32 s0, $0x7;
	[tilespmem:s23+$0x100] =	vst v30;
	v27 =	vld.idx.msk [tilespmem:v5+s2+$0x0], $0xffff;
	v5 =	vmov v21  }
0x10c: {  	s30 =	sand.u32 $0x40, s24;
	s0 =	sand.u32 $0x3FFFFF80, s0;
	v21 =	vld.idx.msk [tilespmem:v31+s2+$0x0], $0xffff;
	[tilespmem:s19+$0x280] =	vst v25  }
0x10d: {  	s31 =	sor.u32 $0x30, s30;
	s4 =	sadd.s32 $0x10000, s0;
	s0 =	sor.u32 $0x10, s30;
	v25 =	vld.idx.msk [tilespmem:v6+s2+$0x0], $0xffff;
	[tilespmem:s21+$0x280] =	vst v26;
	v6 =	vmov v20  }
0x10e: {  	s1 =	sor.u32 $0x20, s30;
	v20 =	vor.u32 $0x200, v0;
	s5 =	sor.u32 s30, s4;
	s7 =	sor.u32 s31, s4;
	[tilespmem:s26+$0x100] =	vst v23;
	v23 =	vld.idx.msk [tilespmem:v4+s2+$0x0], $0xffff;
	v4 =	vmov v19  }
0x10f: {  	s10 =	sor.u32 s0, s4;
	s4 =	sor.u32 s1, s4;
	v19 =	vld [tilespmem:s7+$0x0];
	[tilespmem:s25+$0x100] =	vst v22  }
0x110: {  	v22 =	vld [tilespmem:s5+$0x0];
	[tilespmem:s28+$0x100] =	vst v24  }
0x111: {  	v24 =	vld [tilespmem:s10+$0x0];
	[tilespmem:s22+$0x300] =	vst v27  }
0x112: {  	v26 =	vld [tilespmem:s4+$0x0];
	[tilespmem:s23+$0x180] =	vst v21  }
0x113: {  	v20 =	vld.idx.msk [tilespmem:v20+s2+$0x0], $0xffff;
	[tilespmem:s19+$0x300] =	vst v25  }
0x114: {  	v21 =	vshll.u32 v19, $0x3;
	v17 =	vld.idx.msk [tilespmem:v17+s2+$0x0], $0xffff;
	[tilespmem:s21+$0x300] =	vst v23  }
0x115: {  	v19 =	vand.u32 $0x7F, v19;
	v23 =	vor.u32 $0x280, v0;
	v21 =	vand.u32 $0xFFFFFC00, v21;
	v18 =	vld.idx.msk [tilespmem:v18+s2+$0x0], $0xffff  }
0x116: {  	v25 =	vshll.u32 v22, $0x3;
	v27 =	vshll.u32 v24, $0x3;
	v28 =	vor.u32 v19, v21;
	v16 =	vld.idx.msk [tilespmem:v16+s2+$0x0], $0xffff  }
0x117: {  	v19 =	vand.u32 $0xFFFFFC00, v25;
	v21 =	vand.u32 $0xFFFFFC00, v27;
	v25 =	vshll.u32 v26, $0x3;
	v27 =	vld.idx.msk [tilespmem:v3+s2+$0x0], $0xffff;
	v3 =	vmovc v15  }
0x118: {  	v15 =	vand.u32 $0x7F, v22;
	v22 =	vand.u32 $0x7F, v24;
	v24 =	vand.u32 $0xFFFFFC00, v25;
	v25 =	vld.idx.msk [tilespmem:v1+s2+$0x0], $0xffff;
	v1 =	vmovc v14  }
0x119: {  	v14 =	vor.u32 v15, v19;
	v29 =	vor.u32 v22, v21;
	v15 =	vand.u32 $0x7F, v26;
	[tilespmem:s23+$0x200] =	vst v20;
	v19 =	vld.idx.msk [tilespmem:v2+s2+$0x0], $0xffff  }
0x11a: {  	v26 =	vor.u32 $0x80, v14;
	v30 =	vor.u32 $0x80, v29;
	v31 =	vor.u32 v15, v24;
	v2 =	vmovc v13;
	[tilespmem:s26+$0x180] =	vst v17;
	v15 =	vld.idx.msk [tilespmem:v23+s2+$0x0], $0xffff  }
0x11b: {  	v22 =	vor.u32 $0x100, v29;
	v23 =	vor.u32 $0x100, v14;
	v32 =	vor.u32 $0x80, v31;
	v33 =	vld.idx.msk [tilespmem:v28+s2+$0x0], $0xffff;
	[tilespmem:s25+$0x180] =	vst v18  }
0x11c: {  	v35 =	vor.u32 $0x300, v0;
	v17 =	vor.u32 $0x180, v14;
	v24 =	vor.u32 $0x100, v31;
	v34 =	vld.idx.msk [tilespmem:v12+s2+$0x0], $0xffff;
	[tilespmem:s28+$0x180] =	vst v16  }
0x11d: {  	s4 =	sshll.u32 s29, $0x7;
	v36 =	vor.u32 $0x80, v28;
	v18 =	vor.u32 $0x180, v29;
	v16 =	vor.u32 $0x180, v31;
	v37 =	vld.idx.msk [tilespmem:v11+s2+$0x0], $0xffff;
	[tilespmem:s22+$0x380] =	vst v27;
	s22 =	smov.u32 s26  }
0x11e: {  	s4 =	sand.u32 $0x3FFFFC00, s4;
	v38 =	vor.u32 $0x200, v31;
	v12 =	vor.u32 $0x200, v14;
	v11 =	vor.u32 $0x200, v29;
	v27 =	vld.idx.msk [tilespmem:v14+s2+$0x0], $0xffff;
	[tilespmem:s19+$0x380] =	vst v25;
	s19 =	smov.u32 s25  }
0x11f: {  	s4 =	sadd.s32 s4, s18;
	v40 =	vor.u32 $0x280, v29;
	v41 =	vor.u32 $0x280, v31;
	v25 =	vor.u32 $0x280, v14;
	v39 =	vld.idx.msk [tilespmem:v29+s2+$0x0], $0xffff;
	[tilespmem:s21+$0x380] =	vst v19;
	s21 =	smov.u32 s28  }
0x120: {  	v21 =	vor.u32 $0x300, v14;
	v20 =	vor.u32 $0x300, v29;
	s26 =	sadd.s32 s30, s4;
	s30 =	sadd.s32 s31, s4;
	s25 =	sadd.s32 s0, s4;
	v19 =	vor.u32 $0x300, v31;
	v42 =	vld.idx.msk [tilespmem:v31+s2+$0x0], $0xffff;
	[tilespmem:s23+$0x280] =	vst v15  }
0x121: {  	v13 =	vor.u32 $0x380, v31;
	s28 =	sadd.s32 s1, s4;
	v15 =	vor.u32 $0x380, v14;
	v14 =	vor.u32 $0x380, v29;
	[tilespmem:s30+$0x0] =	vst v33;
	v31 =	vld.idx.msk [tilespmem:v35+s2+$0x0], $0xffff  }
0x122: {  	v33 =	vld.idx.msk [tilespmem:v36+s2+$0x0], $0xffff;
	[tilespmem:s22+$0x200] =	vst v34  }
0x123: {  	v35 =	vor.u32 $0x380, v0;
	v0 =	vmov v28;
	[tilespmem:s19+$0x200] =	vst v37;
	v34 =	vld.idx.msk [tilespmem:v10+s2+$0x0], $0xffff;
	v10 =	vmov v38  }
0x124: {  	v36 =	vor.u32 $0x100, v0;
	[tilespmem:s26+$0x0] =	vst v27;
	v37 =	vld.idx.msk [tilespmem:v7+s2+$0x0], $0xffff;
	v7 =	vmov v25  }
0x125: {  	v26 =	vld.idx.msk [tilespmem:v26+s2+$0x0], $0xffff;
	[tilespmem:s25+$0x0] =	vst v39  }
0x126: {  	v28 =	vld.idx.msk [tilespmem:v30+s2+$0x0], $0xffff;
	[tilespmem:s28+$0x0] =	vst v42  }
.Ltmp7:
0x127: {  	v29 =	vld.idx.msk [tilespmem:v32+s2+$0x0], $0xffff;
	[tilespmem:s23+$0x300] =	vst v31;
	(pc) =	sbr.rel @p2 .LBB2_9-.Ltmp7, $4  }
0x128: {  	[tilespmem:s30+$0x80] =	vst v33;
	v27 =	vld.idx.msk [tilespmem:v35+s2+$0x0], $0xffff  }
0x129: {  	v30 =	vld.idx.msk [tilespmem:v36+s2+$0x0], $0xffff;
	[tilespmem:s21+$0x200] =	vst v34  }
0x12a: {  	[tilespmem:s22+$0x280] =	vst v37;
	v25 =	vld.idx.msk [tilespmem:v9+s2+$0x0], $0xffff;
	v9 =	vmov v40  }
0x12b: {  	v31 =	vor.u32 $0x180, v0;
	[tilespmem:s26+$0x80] =	vst v26;
	v26 =	vld.idx.msk [tilespmem:v8+s2+$0x0], $0xffff;
	v8 =	vmov v41  }
0x12c: {  	_ =	sdelay $0x3  }
0x12d: {  	v23 =	vld.idx.msk [tilespmem:v23+s2+$0x0], $0xffff;
	[tilespmem:s25+$0x80] =	vst v28  }
0x12e: {  	[tilespmem:s28+$0x80] =	vst v29;
	v22 =	vld.idx.msk [tilespmem:v22+s2+$0x0], $0xffff  }
0x12f: {  	v24 =	vld.idx.msk [tilespmem:v24+s2+$0x0], $0xffff;
	_ =	sdelay $0x1  }
0x130: {  	[tilespmem:s30+$0x100] =	vst v30  }
0x131: {  	v50 =	vld.idx.msk [tilespmem:v31+s2+$0x0], $0xffff;
	[tilespmem:s26+$0x100] =	vst v23  }
0x132: {  	v51 =	vor.u32 $0x200, v0;
	[tilespmem:s25+$0x100] =	vst v22;
	v17 =	vld.idx.msk [tilespmem:v17+s2+$0x0], $0xffff  }
0x133: {  	[tilespmem:s28+$0x100] =	vst v24;
	v18 =	vld.idx.msk [tilespmem:v18+s2+$0x0], $0xffff  }
0x134: {  	v16 =	vld.idx.msk [tilespmem:v16+s2+$0x0], $0xffff  }
0x135: {  	[tilespmem:s23+$0x380] =	vst v27  }
0x136: {  	[tilespmem:s30+$0x180] =	vst v50  }
0x137: {  	v52 =	vld.idx.msk [tilespmem:v51+s2+$0x0], $0xffff;
	[tilespmem:s26+$0x180] =	vst v17  }
0x138: {  	v53 =	vor.u32 $0x280, v0;
	[tilespmem:s25+$0x180] =	vst v18;
	v12 =	vld.idx.msk [tilespmem:v12+s2+$0x0], $0xffff  }
0x139: {  	[tilespmem:s28+$0x180] =	vst v16;
	v11 =	vld.idx.msk [tilespmem:v11+s2+$0x0], $0xffff  }
0x13a: {  	[tilespmem:s19+$0x280] =	vst v25;
	v10 =	vld.idx.msk [tilespmem:v10+s2+$0x0], $0xffff  }
0x13b: {  	v5 =	vld.idx.msk [tilespmem:v5+s2+$0x0], $0xffff;
	[tilespmem:s21+$0x280] =	vst v26  }
0x13c: {  	v6 =	vld.idx.msk [tilespmem:v6+s2+$0x0], $0xffff;
	[tilespmem:s30+$0x200] =	vst v52  }
0x13d: {  	v54 =	vld.idx.msk [tilespmem:v53+s2+$0x0], $0xffff;
	[tilespmem:s26+$0x200] =	vst v12  }
0x13e: {  	v55 =	vor.u32 $0x300, v0;
	[tilespmem:s25+$0x200] =	vst v11;
	v7 =	vld.idx.msk [tilespmem:v7+s2+$0x0], $0xffff  }
0x13f: {  	[tilespmem:s28+$0x200] =	vst v10;
	v9 =	vld.idx.msk [tilespmem:v9+s2+$0x0], $0xffff  }
0x140: {  	[tilespmem:s22+$0x300] =	vst v5;
	v56 =	vld.idx.msk [tilespmem:v8+s2+$0x0], $0xffff  }
0x141: {  	v4 =	vld.idx.msk [tilespmem:v4+s2+$0x0], $0xffff;
	[tilespmem:s19+$0x300] =	vst v6  }
0x142: {  	v3 =	vld.idx.msk [tilespmem:v3+s2+$0x0], $0xffff;
	[tilespmem:s30+$0x280] =	vst v54  }
0x143: {  	v57 =	vld.idx.msk [tilespmem:v55+s2+$0x0], $0xffff;
	[tilespmem:s26+$0x280] =	vst v7  }
0x144: {  	v58 =	vor.u32 $0x380, v0;
	v7 =	vld.idx.msk [tilespmem:v21+s2+$0x0], $0xffff;
	[tilespmem:s25+$0x280] =	vst v9  }
0x145: {  	[tilespmem:s28+$0x280] =	vst v56;
	v59 =	vld.idx.msk [tilespmem:v20+s2+$0x0], $0xffff  }
0x146: {  	[tilespmem:s21+$0x300] =	vst v4;
	v60 =	vld.idx.msk [tilespmem:v19+s2+$0x0], $0xffff  }
0x147: {  	v1 =	vld.idx.msk [tilespmem:v1+s2+$0x0], $0xffff;
	[tilespmem:s22+$0x380] =	vst v3  }
0x148: {  	v2 =	vld.idx.msk [tilespmem:v2+s2+$0x0], $0xffff;
	[tilespmem:s30+$0x300] =	vst v57  }
0x149: {  	v0 =	vld.idx.msk [tilespmem:v58+s2+$0x0], $0xffff;
	[tilespmem:s26+$0x300] =	vst v7  }
0x14a: {  	[tilespmem:s25+$0x300] =	vst v59;
	v61 =	vld.idx.msk [tilespmem:v15+s2+$0x0], $0xffff  }
0x14b: {  	[tilespmem:s28+$0x300] =	vst v60;
	v62 =	vld.idx.msk [tilespmem:v14+s2+$0x0], $0xffff  }
0x14c: {  	s14 =	sadd.s32 $0x1, s14;
	[tilespmem:s19+$0x380] =	vst v1;
	v63 =	vld.idx.msk [tilespmem:v13+s2+$0x0], $0xffff  }
0x14d: {  	p2 =	sne.s32 s14, $0x8;
	[tilespmem:s21+$0x380] =	vst v2  }
.Ltmp8:
0x14e: {  	[tilespmem:s30+$0x380] =	vst v0;
	(pc) =	sbr.rel @p2 .LBB2_8-.Ltmp8, $4  }
.Ltmp9:
0x14f: {  	s0 =	sshll.u32 s16, $0x10;
	[tilespmem:s26+$0x380] =	vst v61;
	(pc) =	sbr.rel @!p2 .LBB2_11-.Ltmp9, $4  }
0x150: {  	s1 =	sshll.u32 s15, $0xB;
	s0 =	sadd.s32 s0, s6;
	[tilespmem:s25+$0x380] =	vst v62  }
0x151: {  	s4 =	sadd.s32 $0x1, s17;
	s0 =	sadd.s32 s1, s0;
	[tilespmem:s28+$0x380] =	vst v63  }
0x152: {  	[hbm4b:s0+s2] =	stream.linear.scatter [tilespmem:s18], [sflag:s4], $0x4000, $0x38;
	[tilespmem:$0x1C000] =	vst v63  }
0x153: {  	_ = 	snop  }
.LBB2_13:
0x154: {  	_ =	sfence.sel $0x180000  }
0x155: {  	[bflag:$0x0] =	sbarrier.arrive $0xFFFF  }
0x156: {  	_ =	strace $0x90000047  }
0x157: {  	s0 =	stileid.u32;
	[bflag:$0x2] =	sbarrier.arrive $0xFFFF  }
0x158: {  	p0 =	sne.s32 s0, $0x0;
	s0 =	rddreg [dreg:$0x5]  }
0x159: {  	s0 =	sadd.s32 @!p0 $0x100000, s0  }
0x15a: {  	[sflag:s0] =	ssyncadd.tile.s32 @!p0 $0x1;
	_ =	shalt  }
.Lfunc_end2:
_tile_overlayer_lowered:
.L_overlay_start_2:
0x15b: {  	(tag) =	ssettag $0x2  }
0x15c: {  	s0 =	rddreg [dreg:$0x0];
	s2 =	stileid.u32  }
0x15d: {  	s1 =	rddreg [dreg:$0x1];
	p0 =	sne.s32 s2, $0x0  }
0x15e: {  	s3 =	rddreg [dreg:$0x2];
	[bflag:$0x3] =	sbarrier.arrive $0xFFFF;
	s2 =	simm.s32 @!p0 $0x1C03  }
0x15f: {  	[timem:s3], [sflag:s2] =	dma.local @!p0 [hbm:s0], s1  }
0x160: {  	s0 =	simm.s32 @!p0 $0x3  }
0x161: {  	_ =	swait.ge @!p0 [sflag:s0], s1  }
0x162: {  	s1 =	ssub.s32 @!p0 $0x0, s1;
	[sflag:s0] =	ssyncset.done @!p0 $0x0  }
0x163: {  	[sflag:s0] =	ssyncadd.s32 @!p0 s1  }
0x164: {  	[bflag:$0x3] =	sbarrier.arrive $0xFFFF  }
0x165: {  	_ =	shalt  }

</sc_bundles>
